<compile_context>
chip_gen: v7x
topology: tpu7x:2x2x1
jax: 0.10.2.dev20260603
libtpu: 0.0.44.dev20260713+nightly
codegen_flags: <defaults>
</compile_context>

<pallas_src>
import functools

import jax
import jax.numpy as jnp
from jax import lax
from jax.experimental import pallas as pl
from jax.experimental.pallas import tpu as pltpu
from jax.experimental.pallas import tpu_sc as plsc



def _make_sc_pool(B, S, D, V):
    info = plsc.get_sparse_core_info()
    NC, NS = info.num_cores, info.num_subcores
    NW = NC * NS
    rows_per_w = B // NW
    GRP = 8
    n_groups = rows_per_w // GRP
    S_HI = 128
    S_LO = S - S_HI

    mesh = plsc.VectorSubcoreMesh(core_axis_name="c", subcore_axis_name="s")

    @functools.partial(
        pl.kernel,
        out_type=jax.ShapeDtypeStruct((B, D), jnp.float32),
        mesh=mesh,
        scratch_types=[
            pltpu.VMEM((2 * GRP, 128), jnp.int32),
            pltpu.VMEM((2, S, D), jnp.float32),
            pltpu.VMEM((GRP, D), jnp.float32),
            pltpu.SemaphoreType.DMA,
            pltpu.SemaphoreType.DMA,
        ],
        compiler_params=pltpu.CompilerParams(use_tc_tiling_on_sc=False),
    )
    def sc_pool(x2d, emb, out, idx_v, gbuf, acc_v, sem0, sem1):
        wid = lax.axis_index("s") * NC + lax.axis_index("c")
        row0 = wid * rows_per_w
        sems = (sem0, sem1)

        def fire(r8, slot):
            sem = sems[slot]
            c0 = pltpu.async_copy(
                emb.at[idx_v.at[2 * r8]],
                gbuf.at[slot, pl.ds(0, S_HI)], sem)
            c1 = pltpu.async_copy(
                emb.at[idx_v.at[2 * r8 + 1, pl.ds(0, S_LO)]],
                gbuf.at[slot, pl.ds(S_HI, S_LO)], sem)
            return (c0, c1)

        def accum(slot, r8):
            zero = jnp.zeros((16,), jnp.float32)

            def body(s, acc):
                return tuple(acc[d] + gbuf[slot, s, pl.ds(d * 16, 16)]
                             for d in range(D // 16))

            acc = lax.fori_loop(0, S, body, (zero,) * (D // 16))
            for d in range(D // 16):
                acc_v[r8, pl.ds(d * 16, 16)] = acc[d]

        def group(k, _):
            base = row0 + k * GRP
            pltpu.sync_copy(x2d.at[pl.ds(base * 2, 2 * GRP)], idx_v)
            pend = fire(0, 0)
            for r8 in range(GRP):
                slot = r8 % 2
                nxt = fire(r8 + 1, 1 - slot) if r8 + 1 < GRP else None
                pend[0].wait()
                pend[1].wait()
                accum(slot, r8)
                pend = nxt
            pltpu.sync_copy(acc_v, out.at[pl.ds(base, GRP)])
            return _

        lax.fori_loop(0, n_groups, group, None)

    return sc_pool



def _mlp_body(x_ref, ps_ref, w1_ref, b1_ref, w2_ref, b2_ref, o_ref):
    xb = x_ref[...]
    cnt = jnp.sum((xb != 0).astype(jnp.float32), axis=1, keepdims=True)
    cnt = jnp.maximum(cnt, 1.0)
    pooled = ps_ref[...] / cnt
    h = jnp.dot(pooled, w1_ref[...], preferred_element_type=jnp.float32)
    h = jnp.maximum(h + b1_ref[...], 0.0)
    o_ref[...] = (jnp.dot(h, w2_ref[...], preferred_element_type=jnp.float32)
                  + b2_ref[...])


def _mlp_call(x, pooled_sum, W1, b1, W2, b2):
    B, S = x.shape
    D = W1.shape[0]
    H = W1.shape[1]
    C = W2.shape[1]
    BLK = 2048
    grid = (B // BLK,)
    return pl.pallas_call(
        _mlp_body,
        grid=grid,
        in_specs=[
            pl.BlockSpec((BLK, S), lambda i: (i, 0)),
            pl.BlockSpec((BLK, D), lambda i: (i, 0)),
            pl.BlockSpec((D, H), lambda i: (0, 0)),
            pl.BlockSpec((1, H), lambda i: (0, 0)),
            pl.BlockSpec((H, C), lambda i: (0, 0)),
            pl.BlockSpec((1, C), lambda i: (0, 0)),
        ],
        out_specs=pl.BlockSpec((BLK, C), lambda i: (i, 0)),
        out_shape=jax.ShapeDtypeStruct((B, C), jnp.float32),
    )(x, pooled_sum, W1, b1.reshape(1, H), W2, b2.reshape(1, C))



def kernel(x, emb, W1, b1, W2, b2):
    B, S = x.shape
    V, D = emb.shape
    x = x.astype(jnp.int32)
    x_pad = jnp.pad(x, ((0, 0), (0, 256 - S)))
    x2d = x_pad.reshape(B * 2, 128)
    pooled_sum = _make_sc_pool(B, S, D, V)(x2d, emb)
    return _mlp_call(x, pooled_sum, W1, b1, W2, b2)

# --- scband reference (transcript-rebuilt; emitter-appended) ---
"""Pipeline reference for scband-simple-text-classifier-27908697489583 (READ-ONLY COPY).

The authoritative reference and input builder live on the scoring server;
editing this copy changes nothing except your own understanding.
"""

import jax, jax.numpy as jnp
import numpy as np

VOCAB = 1000000
EMB_DIM = 64
HIDDEN = 128
N_CLASSES = 2
BATCH = 16384
SEQ = 200


def setup_inputs(seed: int = 0) -> dict:
    key = jax.random.key(seed)
    k1, k2, k3, k4 = jax.random.split(key, 4)
    x = jax.random.randint(k1, (BATCH, SEQ), 0, VOCAB, dtype=jnp.int64 if jax.config.jax_enable_x64 else jnp.int32)
    emb = jax.random.normal(k2, (VOCAB, EMB_DIM), dtype=jnp.float32) * 0.02
    emb = emb.at[0].set(0.0)  # padding_idx=0
    W1 = jax.random.normal(k3, (EMB_DIM, HIDDEN), dtype=jnp.float32) * (1.0 / np.sqrt(EMB_DIM))
    b1 = jnp.zeros((HIDDEN,), dtype=jnp.float32)
    W2 = jax.random.normal(k4, (HIDDEN, N_CLASSES), dtype=jnp.float32) * (1.0 / np.sqrt(HIDDEN))
    b2 = jnp.zeros((N_CLASSES,), dtype=jnp.float32)
    return {"x": x, "emb": emb, "W1": W1, "b1": b1, "W2": W2, "b2": b2}


def reference(x, emb, W1, b1, W2, b2):
    # emb lookup (SparseCore gather)
    e = jnp.take(emb, x, axis=0)                      # [B, S, D]
    mask = (x != 0).astype(jnp.float32)               # [B, S]
    lengths = jnp.clip(jnp.sum(mask, axis=1, keepdims=True), 1.0, None)  # [B, 1]
    pooled = jnp.sum(e * mask[..., None], axis=1) / lengths              # [B, D]
    # dropout is identity in eval mode
    h = jnp.maximum(pooled @ W1 + b1, 0.0)
    logits = h @ W2 + b2
    return logits

if __name__ == "__main__":
    import jax
    _d = setup_inputs()
    print(jax.jit(kernel)(*tuple(_d.values())))

</pallas_src>

<mosaic_0001>
#map = affine_map<(d0, d1) -> (0, 0)>
module attributes {stable_mosaic.version = 14 : i64} {
  func.func @sc_pool(%arg0: i32, %arg1: i32, %arg2: memref<32768x128xi32, #tpu.memory_space<hbm>>, %arg3: memref<1000000x64xf32, #tpu.memory_space<hbm>>, %arg4: memref<16384x64xf32, #tpu.memory_space<hbm>>, %arg5: memref<16x128xi32, #tpu.memory_space<vmem>>, %arg6: memref<2x200x64xf32, #tpu.memory_space<vmem>>, %arg7: memref<8x64xf32, #tpu.memory_space<vmem>>, %arg8: memref<!tpu.dma_semaphore, #tpu.memory_space<semaphore_mem>>, %arg9: memref<!tpu.dma_semaphore, #tpu.memory_space<semaphore_mem>>) attributes {dimension_semantics = [#tpu.dimension_semantics<core_parallel>, #tpu.dimension_semantics<subcore_parallel>], iteration_bounds = array<i64: 2, 16>, scalar_prefetch = 0 : i64, scratch_operands = 5 : i64, tpu.core_type = #tpu.core_type<sc_vector_subcore>, window_params = [{transform_indices = #map}, {transform_indices = #map}, {transform_indices = #map}]} {
    %mul3A = arith.constant 2 : i32
    %mul3A_0 = arith.muli %arg1, %mul3A : i32
    %add3A = arith.addi %mul3A_0, %arg0 : i32
    %mul3A_1 = arith.constant 512 : i32
    %mul3A_2 = arith.muli %add3A, %mul3A_1 : i32
    %scan3A = arith.constant 0 : i32
    %scan3A_3 = arith.constant 64 : i32
    %scan3A_4 = arith.addi %scan3A, %scan3A_3 : i32
    %scan3A_5 = arith.constant 1 : i32
    scf.for %scan3A_7 = %scan3A to %scan3A_4 step %scan3A_5  : i32 {
      %mul3A_8 = arith.constant 8 : i32
      %mul3A_9 = arith.muli %scan3A_7, %mul3A_8 : i32
      %add3A_10 = arith.addi %mul3A_2, %mul3A_9 : i32
      %mul3A_11 = arith.constant 2 : i32
      %mul3A_12 = arith.muli %add3A_10, %mul3A_11 : i32
      "tpu.region"() ({
        %run_scoped3A = tpu.sem_alloc : memref<!tpu.dma_semaphore, #tpu.memory_space<semaphore_mem>>
        %dma_start3A_649 = arith.constant 0 : i32
        %dma_start3A_650 = tpu.memref_slice %arg2[%mul3A_12, %dma_start3A_649] : memref<32768x128xi32, #tpu.memory_space<hbm>> -> memref<16x128xi32, #tpu.memory_space<hbm>>
        %dma_start3A_651 = arith.constant 0 : i32
        %dma_start3A_652 = tpu.memref_slice %arg2[%mul3A_12, %dma_start3A_651] : memref<32768x128xi32, #tpu.memory_space<hbm>> -> memref<16x128xi32, #tpu.memory_space<hbm>>
        tpu.enqueue_dma source(%dma_start3A_652 : memref<16x128xi32, #tpu.memory_space<hbm>>) target(%arg5 : memref<16x128xi32, #tpu.memory_space<vmem>>) target_semaphore(%run_scoped3A : memref<!tpu.dma_semaphore, #tpu.memory_space<semaphore_mem>>)
        %dma_wait3A_653 = arith.constant 0 : i32
        %dma_wait3A_654 = tpu.memref_slice %arg2[%mul3A_12, %dma_wait3A_653] : memref<32768x128xi32, #tpu.memory_space<hbm>> -> memref<16x128xi32, #tpu.memory_space<hbm>>
        %dma_wait3A_655 = arith.constant 0 : i32
        %dma_wait3A_656 = tpu.memref_slice %arg2[%mul3A_12, %dma_wait3A_655] : memref<32768x128xi32, #tpu.memory_space<hbm>> -> memref<16x128xi32, #tpu.memory_space<hbm>>
        tpu.wait_dma2 semaphore(%run_scoped3A : memref<!tpu.dma_semaphore, #tpu.memory_space<semaphore_mem>>) src(%dma_wait3A_656 : memref<16x128xi32, #tpu.memory_space<hbm>>) dst(%arg5 : memref<16x128xi32, #tpu.memory_space<vmem>>)
        tpu.yield
      }) : () -> ()
      %dma_start3A = arith.constant 0 : i32
      %dma_start3A_13 = arith.constant 0 : i32
      %dma_start3A_14 = arith.constant 0 : i32
      %dma_start3A_15 = arith.constant 0 : i32
      %dma_start3A_16 = tpu.memref_slice %arg6[%dma_start3A_13, %dma_start3A_14, %dma_start3A_15] : memref<2x200x64xf32, #tpu.memory_space<vmem>> -> memref<1x128x64xf32, #tpu.memory_space<vmem>>
      %dma_start3A_17 = tpu.memref_squeeze %dma_start3A_16 : memref<1x128x64xf32, #tpu.memory_space<vmem>> -> memref<128x64xf32, #tpu.memory_space<vmem>>
      %dma_start3A_18 = arith.constant 0 : i32
      %dma_start3A_19 = tpu.memref_slice %arg5[%dma_start3A, %dma_start3A_18] : memref<16x128xi32, #tpu.memory_space<vmem>> -> memref<1x128xi32, #tpu.memory_space<vmem>>
      %dma_start3A_20 = tpu.memref_squeeze %dma_start3A_19 : memref<1x128xi32, #tpu.memory_space<vmem>> -> memref<128xi32, #tpu.memory_space<vmem>>
      %dma_start3A_21 = arith.constant 0 : i32
      %dma_start3A_22 = arith.constant 0 : i32
      %dma_start3A_23 = tpu.memref_slice %arg3[%dma_start3A_21, %dma_start3A_22] : memref<1000000x64xf32, #tpu.memory_space<hbm>> -> memref<1000000x64xf32, #tpu.memory_space<hbm>>
      tpu.enqueue_indirect_dma source(%dma_start3A_23 : memref<1000000x64xf32, #tpu.memory_space<hbm>>) target(%dma_start3A_17 : memref<128x64xf32, #tpu.memory_space<vmem>>) offsets(%dma_start3A_20 : memref<128xi32, #tpu.memory_space<vmem>>) semaphore(%arg8 : memref<!tpu.dma_semaphore, #tpu.memory_space<semaphore_mem>>)
      %dma_start3A_24 = arith.constant 1 : i32
      %dma_start3A_25 = arith.constant 0 : i32
      %dma_start3A_26 = arith.constant 128 : i32
      %dma_start3A_27 = arith.constant 0 : i32
      %dma_start3A_28 = tpu.memref_slice %arg6[%dma_start3A_25, %dma_start3A_26, %dma_start3A_27] : memref<2x200x64xf32, #tpu.memory_space<vmem>> -> memref<1x72x64xf32, #tpu.memory_space<vmem>>
      %dma_start3A_29 = tpu.memref_squeeze %dma_start3A_28 : memref<1x72x64xf32, #tpu.memory_space<vmem>> -> memref<72x64xf32, #tpu.memory_space<vmem>>
      %dma_start3A_30 = arith.constant 0 : i32
      %dma_start3A_31 = tpu.memref_slice %arg5[%dma_start3A_24, %dma_start3A_30] : memref<16x128xi32, #tpu.memory_space<vmem>> -> memref<1x72xi32, #tpu.memory_space<vmem>>
      %dma_start3A_32 = tpu.memref_squeeze %dma_start3A_31 : memref<1x72xi32, #tpu.memory_space<vmem>> -> memref<72xi32, #tpu.memory_space<vmem>>
      %dma_start3A_33 = arith.constant 0 : i32
      %dma_start3A_34 = arith.constant 0 : i32
      %dma_start3A_35 = tpu.memref_slice %arg3[%dma_start3A_33, %dma_start3A_34] : memref<1000000x64xf32, #tpu.memory_space<hbm>> -> memref<1000000x64xf32, #tpu.memory_space<hbm>>
      tpu.enqueue_indirect_dma source(%dma_start3A_35 : memref<1000000x64xf32, #tpu.memory_space<hbm>>) target(%dma_start3A_29 : memref<72x64xf32, #tpu.memory_space<vmem>>) offsets(%dma_start3A_32 : memref<72xi32, #tpu.memory_space<vmem>>) semaphore(%arg8 : memref<!tpu.dma_semaphore, #tpu.memory_space<semaphore_mem>>)
      %dma_start3A_36 = arith.constant 2 : i32
      %dma_start3A_37 = arith.constant 1 : i32
      %dma_start3A_38 = arith.constant 0 : i32
      %dma_start3A_39 = arith.constant 0 : i32
      %dma_start3A_40 = tpu.memref_slice %arg6[%dma_start3A_37, %dma_start3A_38, %dma_start3A_39] : memref<2x200x64xf32, #tpu.memory_space<vmem>> -> memref<1x128x64xf32, #tpu.memory_space<vmem>>
      %dma_start3A_41 = tpu.memref_squeeze %dma_start3A_40 : memref<1x128x64xf32, #tpu.memory_space<vmem>> -> memref<128x64xf32, #tpu.memory_space<vmem>>
      %dma_start3A_42 = arith.constant 0 : i32
      %dma_start3A_43 = tpu.memref_slice %arg5[%dma_start3A_36, %dma_start3A_42] : memref<16x128xi32, #tpu.memory_space<vmem>> -> memref<1x128xi32, #tpu.memory_space<vmem>>
      %dma_start3A_44 = tpu.memref_squeeze %dma_start3A_43 : memref<1x128xi32, #tpu.memory_space<vmem>> -> memref<128xi32, #tpu.memory_space<vmem>>
      %dma_start3A_45 = arith.constant 0 : i32
      %dma_start3A_46 = arith.constant 0 : i32
      %dma_start3A_47 = tpu.memref_slice %arg3[%dma_start3A_45, %dma_start3A_46] : memref<1000000x64xf32, #tpu.memory_space<hbm>> -> memref<1000000x64xf32, #tpu.memory_space<hbm>>
      tpu.enqueue_indirect_dma source(%dma_start3A_47 : memref<1000000x64xf32, #tpu.memory_space<hbm>>) target(%dma_start3A_41 : memref<128x64xf32, #tpu.memory_space<vmem>>) offsets(%dma_start3A_44 : memref<128xi32, #tpu.memory_space<vmem>>) semaphore(%arg9 : memref<!tpu.dma_semaphore, #tpu.memory_space<semaphore_mem>>)
      %dma_start3A_48 = arith.constant 3 : i32
      %dma_start3A_49 = arith.constant 1 : i32
      %dma_start3A_50 = arith.constant 128 : i32
      %dma_start3A_51 = arith.constant 0 : i32
      %dma_start3A_52 = tpu.memref_slice %arg6[%dma_start3A_49, %dma_start3A_50, %dma_start3A_51] : memref<2x200x64xf32, #tpu.memory_space<vmem>> -> memref<1x72x64xf32, #tpu.memory_space<vmem>>
      %dma_start3A_53 = tpu.memref_squeeze %dma_start3A_52 : memref<1x72x64xf32, #tpu.memory_space<vmem>> -> memref<72x64xf32, #tpu.memory_space<vmem>>
      %dma_start3A_54 = arith.constant 0 : i32
      %dma_start3A_55 = tpu.memref_slice %arg5[%dma_start3A_48, %dma_start3A_54] : memref<16x128xi32, #tpu.memory_space<vmem>> -> memref<1x72xi32, #tpu.memory_space<vmem>>
      %dma_start3A_56 = tpu.memref_squeeze %dma_start3A_55 : memref<1x72xi32, #tpu.memory_space<vmem>> -> memref<72xi32, #tpu.memory_space<vmem>>
      %dma_start3A_57 = arith.constant 0 : i32
      %dma_start3A_58 = arith.constant 0 : i32
      %dma_start3A_59 = tpu.memref_slice %arg3[%dma_start3A_57, %dma_start3A_58] : memref<1000000x64xf32, #tpu.memory_space<hbm>> -> memref<1000000x64xf32, #tpu.memory_space<hbm>>
      tpu.enqueue_indirect_dma source(%dma_start3A_59 : memref<1000000x64xf32, #tpu.memory_space<hbm>>) target(%dma_start3A_53 : memref<72x64xf32, #tpu.memory_space<vmem>>) offsets(%dma_start3A_56 : memref<72xi32, #tpu.memory_space<vmem>>) semaphore(%arg9 : memref<!tpu.dma_semaphore, #tpu.memory_space<semaphore_mem>>)
      %dma_wait3A = arith.constant 0 : i32
      %dma_wait3A_60 = arith.constant 0 : i32
      %dma_wait3A_61 = arith.constant 0 : i32
      %dma_wait3A_62 = arith.constant 0 : i32
      %dma_wait3A_63 = tpu.memref_slice %arg6[%dma_wait3A_60, %dma_wait3A_61, %dma_wait3A_62] : memref<2x200x64xf32, #tpu.memory_space<vmem>> -> memref<1x128x64xf32, #tpu.memory_space<vmem>>
      %dma_wait3A_64 = tpu.memref_squeeze %dma_wait3A_63 : memref<1x128x64xf32, #tpu.memory_space<vmem>> -> memref<128x64xf32, #tpu.memory_space<vmem>>
      %dma_wait3A_65 = arith.constant 0 : i32
      %dma_wait3A_66 = tpu.memref_slice %arg5[%dma_wait3A, %dma_wait3A_65] : memref<16x128xi32, #tpu.memory_space<vmem>> -> memref<1x128xi32, #tpu.memory_space<vmem>>
      %dma_wait3A_67 = tpu.memref_squeeze %dma_wait3A_66 : memref<1x128xi32, #tpu.memory_space<vmem>> -> memref<128xi32, #tpu.memory_space<vmem>>
      %dma_wait3A_68 = arith.constant 0 : i32
      %dma_wait3A_69 = arith.constant 0 : i32
      %dma_wait3A_70 = tpu.memref_slice %arg3[%dma_wait3A_68, %dma_wait3A_69] : memref<1000000x64xf32, #tpu.memory_space<hbm>> -> memref<1000000x64xf32, #tpu.memory_space<hbm>>
      tpu.wait_indirect_dma semaphore(%arg8 : memref<!tpu.dma_semaphore, #tpu.memory_space<semaphore_mem>>) src(%dma_wait3A_70 : memref<1000000x64xf32, #tpu.memory_space<hbm>>) dst(%dma_wait3A_64 : memref<128x64xf32, #tpu.memory_space<vmem>>)
      %dma_wait3A_71 = arith.constant 1 : i32
      %dma_wait3A_72 = arith.constant 0 : i32
      %dma_wait3A_73 = arith.constant 128 : i32
      %dma_wait3A_74 = arith.constant 0 : i32
      %dma_wait3A_75 = tpu.memref_slice %arg6[%dma_wait3A_72, %dma_wait3A_73, %dma_wait3A_74] : memref<2x200x64xf32, #tpu.memory_space<vmem>> -> memref<1x72x64xf32, #tpu.memory_space<vmem>>
      %dma_wait3A_76 = tpu.memref_squeeze %dma_wait3A_75 : memref<1x72x64xf32, #tpu.memory_space<vmem>> -> memref<72x64xf32, #tpu.memory_space<vmem>>
      %dma_wait3A_77 = arith.constant 0 : i32
      %dma_wait3A_78 = tpu.memref_slice %arg5[%dma_wait3A_71, %dma_wait3A_77] : memref<16x128xi32, #tpu.memory_space<vmem>> -> memref<1x72xi32, #tpu.memory_space<vmem>>
      %dma_wait3A_79 = tpu.memref_squeeze %dma_wait3A_78 : memref<1x72xi32, #tpu.memory_space<vmem>> -> memref<72xi32, #tpu.memory_space<vmem>>
      %dma_wait3A_80 = arith.constant 0 : i32
      %dma_wait3A_81 = arith.constant 0 : i32
      %dma_wait3A_82 = tpu.memref_slice %arg3[%dma_wait3A_80, %dma_wait3A_81] : memref<1000000x64xf32, #tpu.memory_space<hbm>> -> memref<1000000x64xf32, #tpu.memory_space<hbm>>
      tpu.wait_indirect_dma semaphore(%arg8 : memref<!tpu.dma_semaphore, #tpu.memory_space<semaphore_mem>>) src(%dma_wait3A_82 : memref<1000000x64xf32, #tpu.memory_space<hbm>>) dst(%dma_wait3A_76 : memref<72x64xf32, #tpu.memory_space<vmem>>)
      %broadcast_in_dim3A = arith.constant 0.000000e+00 : f32
      %broadcast_in_dim3A_83 = vector.broadcast %broadcast_in_dim3A : f32 to vector<16xf32>
      %scan3A_84 = arith.constant 0 : i32
      %scan3A_85 = arith.constant 200 : i32
      %scan3A_86 = arith.addi %scan3A_84, %scan3A_85 : i32
      %scan3A_87 = arith.constant 1 : i32
      %scan3A_88:4 = scf.for %scan3A_649 = %scan3A_84 to %scan3A_86 step %scan3A_87 iter_args(%scan3A_650 = %broadcast_in_dim3A_83, %scan3A_651 = %broadcast_in_dim3A_83, %scan3A_652 = %broadcast_in_dim3A_83, %scan3A_653 = %broadcast_in_dim3A_83) -> (vector<16xf32>, vector<16xf32>, vector<16xf32>, vector<16xf32>)  : i32 {
        %get3A = arith.constant 0 : i32
        %get3A_654 = arith.index_cast %get3A : i32 to index
        %get3A_655 = arith.index_cast %scan3A_649 : i32 to index
        %get3A_656 = arith.constant 0 : index
        %get3A_657 = tpu.vector_load %arg6[%get3A_654, %get3A_655, %get3A_656] {strides = array<i32>} : memref<2x200x64xf32, #tpu.memory_space<vmem>>, vector<1x1x16xf32>,
        %get3A_658 = vector.shape_cast %get3A_657 : vector<1x1x16xf32> to vector<16xf32>
        %add3A_659 = arith.addf %scan3A_650, %get3A_658 : vector<16xf32>
        %get3A_660 = arith.constant 0 : i32
        %get3A_661 = arith.index_cast %get3A_660 : i32 to index
        %get3A_662 = arith.index_cast %scan3A_649 : i32 to index
        %get3A_663 = arith.constant 16 : index
        %get3A_664 = tpu.vector_load %arg6[%get3A_661, %get3A_662, %get3A_663] {strides = array<i32>} : memref<2x200x64xf32, #tpu.memory_space<vmem>>, vector<1x1x16xf32>,
        %get3A_665 = vector.shape_cast %get3A_664 : vector<1x1x16xf32> to vector<16xf32>
        %add3A_666 = arith.addf %scan3A_651, %get3A_665 : vector<16xf32>
        %get3A_667 = arith.constant 0 : i32
        %get3A_668 = arith.index_cast %get3A_667 : i32 to index
        %get3A_669 = arith.index_cast %scan3A_649 : i32 to index
        %get3A_670 = arith.constant 32 : index
        %get3A_671 = tpu.vector_load %arg6[%get3A_668, %get3A_669, %get3A_670] {strides = array<i32>} : memref<2x200x64xf32, #tpu.memory_space<vmem>>, vector<1x1x16xf32>,
        %get3A_672 = vector.shape_cast %get3A_671 : vector<1x1x16xf32> to vector<16xf32>
        %add3A_673 = arith.addf %scan3A_652, %get3A_672 : vector<16xf32>
        %get3A_674 = arith.constant 0 : i32
        %get3A_675 = arith.index_cast %get3A_674 : i32 to index
        %get3A_676 = arith.index_cast %scan3A_649 : i32 to index
        %get3A_677 = arith.constant 48 : index
        %get3A_678 = tpu.vector_load %arg6[%get3A_675, %get3A_676, %get3A_677] {strides = array<i32>} : memref<2x200x64xf32, #tpu.memory_space<vmem>>, vector<1x1x16xf32>,
        %get3A_679 = vector.shape_cast %get3A_678 : vector<1x1x16xf32> to vector<16xf32>
        %add3A_680 = arith.addf %scan3A_653, %get3A_679 : vector<16xf32>
        scf.yield %add3A_659, %add3A_666, %add3A_673, %add3A_680 : vector<16xf32>, vector<16xf32>, vector<16xf32>, vector<16xf32>
      }
      %scan3A_89 = arith.constant 200 : i32
      %swap3A = arith.constant 0 : i32
      %swap3A_90 = arith.index_cast %swap3A : i32 to index
      %swap3A_91 = arith.constant 0 : index
      %swap3A_92 = tpu.vector_load %arg7[%swap3A_90, %swap3A_91] {strides = array<i32>} : memref<8x64xf32, #tpu.memory_space<vmem>>, vector<1x16xf32>,
      %swap3A_93 = vector.shape_cast %swap3A_92 : vector<1x16xf32> to vector<16xf32>
      %swap3A_94 = vector.shape_cast %scan3A_88#0 : vector<16xf32> to vector<1x16xf32>
      tpu.vector_store %arg7[%swap3A_90, %swap3A_91], %swap3A_94 {strides = array<i32>} : memref<8x64xf32, #tpu.memory_space<vmem>>, vector<1x16xf32>,
      %swap3A_95 = arith.constant 0 : i32
      %swap3A_96 = arith.index_cast %swap3A_95 : i32 to index
      %swap3A_97 = arith.constant 16 : index
      %swap3A_98 = tpu.vector_load %arg7[%swap3A_96, %swap3A_97] {strides = array<i32>} : memref<8x64xf32, #tpu.memory_space<vmem>>, vector<1x16xf32>,
      %swap3A_99 = vector.shape_cast %swap3A_98 : vector<1x16xf32> to vector<16xf32>
      %swap3A_100 = vector.shape_cast %scan3A_88#1 : vector<16xf32> to vector<1x16xf32>
      tpu.vector_store %arg7[%swap3A_96, %swap3A_97], %swap3A_100 {strides = array<i32>} : memref<8x64xf32, #tpu.memory_space<vmem>>, vector<1x16xf32>,
      %swap3A_101 = arith.constant 0 : i32
      %swap3A_102 = arith.index_cast %swap3A_101 : i32 to index
      %swap3A_103 = arith.constant 32 : index
      %swap3A_104 = tpu.vector_load %arg7[%swap3A_102, %swap3A_103] {strides = array<i32>} : memref<8x64xf32, #tpu.memory_space<vmem>>, vector<1x16xf32>,
      %swap3A_105 = vector.shape_cast %swap3A_104 : vector<1x16xf32> to vector<16xf32>
      %swap3A_106 = vector.shape_cast %scan3A_88#2 : vector<16xf32> to vector<1x16xf32>
      tpu.vector_store %arg7[%swap3A_102, %swap3A_103], %swap3A_106 {strides = array<i32>} : memref<8x64xf32, #tpu.memory_space<vmem>>, vector<1x16xf32>,
      %swap3A_107 = arith.constant 0 : i32
      %swap3A_108 = arith.index_cast %swap3A_107 : i32 to index
      %swap3A_109 = arith.constant 48 : index
      %swap3A_110 = tpu.vector_load %arg7[%swap3A_108, %swap3A_109] {strides = array<i32>} : memref<8x64xf32, #tpu.memory_space<vmem>>, vector<1x16xf32>,
      %swap3A_111 = vector.shape_cast %swap3A_110 : vector<1x16xf32> to vector<16xf32>
      %swap3A_112 = vector.shape_cast %scan3A_88#3 : vector<16xf32> to vector<1x16xf32>
      tpu.vector_store %arg7[%swap3A_108, %swap3A_109], %swap3A_112 {strides = array<i32>} : memref<8x64xf32, #tpu.memory_space<vmem>>, vector<1x16xf32>,
      %dma_start3A_113 = arith.constant 4 : i32
      %dma_start3A_114 = arith.constant 0 : i32
      %dma_start3A_115 = arith.constant 0 : i32
      %dma_start3A_116 = arith.constant 0 : i32
      %dma_start3A_117 = tpu.memref_slice %arg6[%dma_start3A_114, %dma_start3A_115, %dma_start3A_116] : memref<2x200x64xf32, #tpu.memory_space<vmem>> -> memref<1x128x64xf32, #tpu.memory_space<vmem>>
      %dma_start3A_118 = tpu.memref_squeeze %dma_start3A_117 : memref<1x128x64xf32, #tpu.memory_space<vmem>> -> memref<128x64xf32, #tpu.memory_space<vmem>>
      %dma_start3A_119 = arith.constant 0 : i32
      %dma_start3A_120 = tpu.memref_slice %arg5[%dma_start3A_113, %dma_start3A_119] : memref<16x128xi32, #tpu.memory_space<vmem>> -> memref<1x128xi32, #tpu.memory_space<vmem>>
      %dma_start3A_121 = tpu.memref_squeeze %dma_start3A_120 : memref<1x128xi32, #tpu.memory_space<vmem>> -> memref<128xi32, #tpu.memory_space<vmem>>
      %dma_start3A_122 = arith.constant 0 : i32
      %dma_start3A_123 = arith.constant 0 : i32
      %dma_start3A_124 = tpu.memref_slice %arg3[%dma_start3A_122, %dma_start3A_123] : memref<1000000x64xf32, #tpu.memory_space<hbm>> -> memref<1000000x64xf32, #tpu.memory_space<hbm>>
      tpu.enqueue_indirect_dma source(%dma_start3A_124 : memref<1000000x64xf32, #tpu.memory_space<hbm>>) target(%dma_start3A_118 : memref<128x64xf32, #tpu.memory_space<vmem>>) offsets(%dma_start3A_121 : memref<128xi32, #tpu.memory_space<vmem>>) semaphore(%arg8 : memref<!tpu.dma_semaphore, #tpu.memory_space<semaphore_mem>>)
      %dma_start3A_125 = arith.constant 5 : i32
      %dma_start3A_126 = arith.constant 0 : i32
      %dma_start3A_127 = arith.constant 128 : i32
      %dma_start3A_128 = arith.constant 0 : i32
      %dma_start3A_129 = tpu.memref_slice %arg6[%dma_start3A_126, %dma_start3A_127, %dma_start3A_128] : memref<2x200x64xf32, #tpu.memory_space<vmem>> -> memref<1x72x64xf32, #tpu.memory_space<vmem>>
      %dma_start3A_130 = tpu.memref_squeeze %dma_start3A_129 : memref<1x72x64xf32, #tpu.memory_space<vmem>> -> memref<72x64xf32, #tpu.memory_space<vmem>>
      %dma_start3A_131 = arith.constant 0 : i32
      %dma_start3A_132 = tpu.memref_slice %arg5[%dma_start3A_125, %dma_start3A_131] : memref<16x128xi32, #tpu.memory_space<vmem>> -> memref<1x72xi32, #tpu.memory_space<vmem>>
      %dma_start3A_133 = tpu.memref_squeeze %dma_start3A_132 : memref<1x72xi32, #tpu.memory_space<vmem>> -> memref<72xi32, #tpu.memory_space<vmem>>
      %dma_start3A_134 = arith.constant 0 : i32
      %dma_start3A_135 = arith.constant 0 : i32
      %dma_start3A_136 = tpu.memref_slice %arg3[%dma_start3A_134, %dma_start3A_135] : memref<1000000x64xf32, #tpu.memory_space<hbm>> -> memref<1000000x64xf32, #tpu.memory_space<hbm>>
      tpu.enqueue_indirect_dma source(%dma_start3A_136 : memref<1000000x64xf32, #tpu.memory_space<hbm>>) target(%dma_start3A_130 : memref<72x64xf32, #tpu.memory_space<vmem>>) offsets(%dma_start3A_133 : memref<72xi32, #tpu.memory_space<vmem>>) semaphore(%arg8 : memref<!tpu.dma_semaphore, #tpu.memory_space<semaphore_mem>>)
      %dma_wait3A_137 = arith.constant 2 : i32
      %dma_wait3A_138 = arith.constant 1 : i32
      %dma_wait3A_139 = arith.constant 0 : i32
      %dma_wait3A_140 = arith.constant 0 : i32
      %dma_wait3A_141 = tpu.memref_slice %arg6[%dma_wait3A_138, %dma_wait3A_139, %dma_wait3A_140] : memref<2x200x64xf32, #tpu.memory_space<vmem>> -> memref<1x128x64xf32, #tpu.memory_space<vmem>>
      %dma_wait3A_142 = tpu.memref_squeeze %dma_wait3A_141 : memref<1x128x64xf32, #tpu.memory_space<vmem>> -> memref<128x64xf32, #tpu.memory_space<vmem>>
      %dma_wait3A_143 = arith.constant 0 : i32
      %dma_wait3A_144 = tpu.memref_slice %arg5[%dma_wait3A_137, %dma_wait3A_143] : memref<16x128xi32, #tpu.memory_space<vmem>> -> memref<1x128xi32, #tpu.memory_space<vmem>>
      %dma_wait3A_145 = tpu.memref_squeeze %dma_wait3A_144 : memref<1x128xi32, #tpu.memory_space<vmem>> -> memref<128xi32, #tpu.memory_space<vmem>>
      %dma_wait3A_146 = arith.constant 0 : i32
      %dma_wait3A_147 = arith.constant 0 : i32
      %dma_wait3A_148 = tpu.memref_slice %arg3[%dma_wait3A_146, %dma_wait3A_147] : memref<1000000x64xf32, #tpu.memory_space<hbm>> -> memref<1000000x64xf32, #tpu.memory_space<hbm>>
      tpu.wait_indirect_dma semaphore(%arg9 : memref<!tpu.dma_semaphore, #tpu.memory_space<semaphore_mem>>) src(%dma_wait3A_148 : memref<1000000x64xf32, #tpu.memory_space<hbm>>) dst(%dma_wait3A_142 : memref<128x64xf32, #tpu.memory_space<vmem>>)
      %dma_wait3A_149 = arith.constant 3 : i32
      %dma_wait3A_150 = arith.constant 1 : i32
      %dma_wait3A_151 = arith.constant 128 : i32
      %dma_wait3A_152 = arith.constant 0 : i32
      %dma_wait3A_153 = tpu.memref_slice %arg6[%dma_wait3A_150, %dma_wait3A_151, %dma_wait3A_152] : memref<2x200x64xf32, #tpu.memory_space<vmem>> -> memref<1x72x64xf32, #tpu.memory_space<vmem>>
      %dma_wait3A_154 = tpu.memref_squeeze %dma_wait3A_153 : memref<1x72x64xf32, #tpu.memory_space<vmem>> -> memref<72x64xf32, #tpu.memory_space<vmem>>
      %dma_wait3A_155 = arith.constant 0 : i32
      %dma_wait3A_156 = tpu.memref_slice %arg5[%dma_wait3A_149, %dma_wait3A_155] : memref<16x128xi32, #tpu.memory_space<vmem>> -> memref<1x72xi32, #tpu.memory_space<vmem>>
      %dma_wait3A_157 = tpu.memref_squeeze %dma_wait3A_156 : memref<1x72xi32, #tpu.memory_space<vmem>> -> memref<72xi32, #tpu.memory_space<vmem>>
      %dma_wait3A_158 = arith.constant 0 : i32
      %dma_wait3A_159 = arith.constant 0 : i32
      %dma_wait3A_160 = tpu.memref_slice %arg3[%dma_wait3A_158, %dma_wait3A_159] : memref<1000000x64xf32, #tpu.memory_space<hbm>> -> memref<1000000x64xf32, #tpu.memory_space<hbm>>
      tpu.wait_indirect_dma semaphore(%arg9 : memref<!tpu.dma_semaphore, #tpu.memory_space<semaphore_mem>>) src(%dma_wait3A_160 : memref<1000000x64xf32, #tpu.memory_space<hbm>>) dst(%dma_wait3A_154 : memref<72x64xf32, #tpu.memory_space<vmem>>)
      %broadcast_in_dim3A_161 = arith.constant 0.000000e+00 : f32
      %broadcast_in_dim3A_162 = vector.broadcast %broadcast_in_dim3A_161 : f32 to vector<16xf32>
      %scan3A_163 = arith.constant 0 : i32
      %scan3A_164 = arith.constant 200 : i32
      %scan3A_165 = arith.addi %scan3A_163, %scan3A_164 : i32
      %scan3A_166 = arith.constant 1 : i32
      %scan3A_167:4 = scf.for %scan3A_649 = %scan3A_163 to %scan3A_165 step %scan3A_166 iter_args(%scan3A_650 = %broadcast_in_dim3A_162, %scan3A_651 = %broadcast_in_dim3A_162, %scan3A_652 = %broadcast_in_dim3A_162, %scan3A_653 = %broadcast_in_dim3A_162) -> (vector<16xf32>, vector<16xf32>, vector<16xf32>, vector<16xf32>)  : i32 {
        %get3A = arith.constant 1 : i32
        %get3A_654 = arith.index_cast %get3A : i32 to index
        %get3A_655 = arith.index_cast %scan3A_649 : i32 to index
        %get3A_656 = arith.constant 0 : index
        %get3A_657 = tpu.vector_load %arg6[%get3A_654, %get3A_655, %get3A_656] {strides = array<i32>} : memref<2x200x64xf32, #tpu.memory_space<vmem>>, vector<1x1x16xf32>,
        %get3A_658 = vector.shape_cast %get3A_657 : vector<1x1x16xf32> to vector<16xf32>
        %add3A_659 = arith.addf %scan3A_650, %get3A_658 : vector<16xf32>
        %get3A_660 = arith.constant 1 : i32
        %get3A_661 = arith.index_cast %get3A_660 : i32 to index
        %get3A_662 = arith.index_cast %scan3A_649 : i32 to index
        %get3A_663 = arith.constant 16 : index
        %get3A_664 = tpu.vector_load %arg6[%get3A_661, %get3A_662, %get3A_663] {strides = array<i32>} : memref<2x200x64xf32, #tpu.memory_space<vmem>>, vector<1x1x16xf32>,
        %get3A_665 = vector.shape_cast %get3A_664 : vector<1x1x16xf32> to vector<16xf32>
        %add3A_666 = arith.addf %scan3A_651, %get3A_665 : vector<16xf32>
        %get3A_667 = arith.constant 1 : i32
        %get3A_668 = arith.index_cast %get3A_667 : i32 to index
        %get3A_669 = arith.index_cast %scan3A_649 : i32 to index
        %get3A_670 = arith.constant 32 : index
        %get3A_671 = tpu.vector_load %arg6[%get3A_668, %get3A_669, %get3A_670] {strides = array<i32>} : memref<2x200x64xf32, #tpu.memory_space<vmem>>, vector<1x1x16xf32>,
        %get3A_672 = vector.shape_cast %get3A_671 : vector<1x1x16xf32> to vector<16xf32>
        %add3A_673 = arith.addf %scan3A_652, %get3A_672 : vector<16xf32>
        %get3A_674 = arith.constant 1 : i32
        %get3A_675 = arith.index_cast %get3A_674 : i32 to index
        %get3A_676 = arith.index_cast %scan3A_649 : i32 to index
        %get3A_677 = arith.constant 48 : index
        %get3A_678 = tpu.vector_load %arg6[%get3A_675, %get3A_676, %get3A_677] {strides = array<i32>} : memref<2x200x64xf32, #tpu.memory_space<vmem>>, vector<1x1x16xf32>,
        %get3A_679 = vector.shape_cast %get3A_678 : vector<1x1x16xf32> to vector<16xf32>
        %add3A_680 = arith.addf %scan3A_653, %get3A_679 : vector<16xf32>
        scf.yield %add3A_659, %add3A_666, %add3A_673, %add3A_680 : vector<16xf32>, vector<16xf32>, vector<16xf32>, vector<16xf32>
      }
      %scan3A_168 = arith.constant 200 : i32
      %swap3A_169 = arith.constant 1 : i32
      %swap3A_170 = arith.index_cast %swap3A_169 : i32 to index
      %swap3A_171 = arith.constant 0 : index
      %swap3A_172 = tpu.vector_load %arg7[%swap3A_170, %swap3A_171] {strides = array<i32>} : memref<8x64xf32, #tpu.memory_space<vmem>>, vector<1x16xf32>,
      %swap3A_173 = vector.shape_cast %swap3A_172 : vector<1x16xf32> to vector<16xf32>
      %swap3A_174 = vector.shape_cast %scan3A_167#0 : vector<16xf32> to vector<1x16xf32>
      tpu.vector_store %arg7[%swap3A_170, %swap3A_171], %swap3A_174 {strides = array<i32>} : memref<8x64xf32, #tpu.memory_space<vmem>>, vector<1x16xf32>,
      %swap3A_175 = arith.constant 1 : i32
      %swap3A_176 = arith.index_cast %swap3A_175 : i32 to index
      %swap3A_177 = arith.constant 16 : index
      %swap3A_178 = tpu.vector_load %arg7[%swap3A_176, %swap3A_177] {strides = array<i32>} : memref<8x64xf32, #tpu.memory_space<vmem>>, vector<1x16xf32>,
      %swap3A_179 = vector.shape_cast %swap3A_178 : vector<1x16xf32> to vector<16xf32>
      %swap3A_180 = vector.shape_cast %scan3A_167#1 : vector<16xf32> to vector<1x16xf32>
      tpu.vector_store %arg7[%swap3A_176, %swap3A_177], %swap3A_180 {strides = array<i32>} : memref<8x64xf32, #tpu.memory_space<vmem>>, vector<1x16xf32>,
      %swap3A_181 = arith.constant 1 : i32
      %swap3A_182 = arith.index_cast %swap3A_181 : i32 to index
      %swap3A_183 = arith.constant 32 : index
      %swap3A_184 = tpu.vector_load %arg7[%swap3A_182, %swap3A_183] {strides = array<i32>} : memref<8x64xf32, #tpu.memory_space<vmem>>, vector<1x16xf32>,
      %swap3A_185 = vector.shape_cast %swap3A_184 : vector<1x16xf32> to vector<16xf32>
      %swap3A_186 = vector.shape_cast %scan3A_167#2 : vector<16xf32> to vector<1x16xf32>
      tpu.vector_store %arg7[%swap3A_182, %swap3A_183], %swap3A_186 {strides = array<i32>} : memref<8x64xf32, #tpu.memory_space<vmem>>, vector<1x16xf32>,
      %swap3A_187 = arith.constant 1 : i32
      %swap3A_188 = arith.index_cast %swap3A_187 : i32 to index
      %swap3A_189 = arith.constant 48 : index
      %swap3A_190 = tpu.vector_load %arg7[%swap3A_188, %swap3A_189] {strides = array<i32>} : memref<8x64xf32, #tpu.memory_space<vmem>>, vector<1x16xf32>,
      %swap3A_191 = vector.shape_cast %swap3A_190 : vector<1x16xf32> to vector<16xf32>
      %swap3A_192 = vector.shape_cast %scan3A_167#3 : vector<16xf32> to vector<1x16xf32>
      tpu.vector_store %arg7[%swap3A_188, %swap3A_189], %swap3A_192 {strides = array<i32>} : memref<8x64xf32, #tpu.memory_space<vmem>>, vector<1x16xf32>,
      %dma_start3A_193 = arith.constant 6 : i32
      %dma_start3A_194 = arith.constant 1 : i32
      %dma_start3A_195 = arith.constant 0 : i32
      %dma_start3A_196 = arith.constant 0 : i32
      %dma_start3A_197 = tpu.memref_slice %arg6[%dma_start3A_194, %dma_start3A_195, %dma_start3A_196] : memref<2x200x64xf32, #tpu.memory_space<vmem>> -> memref<1x128x64xf32, #tpu.memory_space<vmem>>
      %dma_start3A_198 = tpu.memref_squeeze %dma_start3A_197 : memref<1x128x64xf32, #tpu.memory_space<vmem>> -> memref<128x64xf32, #tpu.memory_space<vmem>>
      %dma_start3A_199 = arith.constant 0 : i32
      %dma_start3A_200 = tpu.memref_slice %arg5[%dma_start3A_193, %dma_start3A_199] : memref<16x128xi32, #tpu.memory_space<vmem>> -> memref<1x128xi32, #tpu.memory_space<vmem>>
      %dma_start3A_201 = tpu.memref_squeeze %dma_start3A_200 : memref<1x128xi32, #tpu.memory_space<vmem>> -> memref<128xi32, #tpu.memory_space<vmem>>
      %dma_start3A_202 = arith.constant 0 : i32
      %dma_start3A_203 = arith.constant 0 : i32
      %dma_start3A_204 = tpu.memref_slice %arg3[%dma_start3A_202, %dma_start3A_203] : memref<1000000x64xf32, #tpu.memory_space<hbm>> -> memref<1000000x64xf32, #tpu.memory_space<hbm>>
      tpu.enqueue_indirect_dma source(%dma_start3A_204 : memref<1000000x64xf32, #tpu.memory_space<hbm>>) target(%dma_start3A_198 : memref<128x64xf32, #tpu.memory_space<vmem>>) offsets(%dma_start3A_201 : memref<128xi32, #tpu.memory_space<vmem>>) semaphore(%arg9 : memref<!tpu.dma_semaphore, #tpu.memory_space<semaphore_mem>>)
      %dma_start3A_205 = arith.constant 7 : i32
      %dma_start3A_206 = arith.constant 1 : i32
      %dma_start3A_207 = arith.constant 128 : i32
      %dma_start3A_208 = arith.constant 0 : i32
      %dma_start3A_209 = tpu.memref_slice %arg6[%dma_start3A_206, %dma_start3A_207, %dma_start3A_208] : memref<2x200x64xf32, #tpu.memory_space<vmem>> -> memref<1x72x64xf32, #tpu.memory_space<vmem>>
      %dma_start3A_210 = tpu.memref_squeeze %dma_start3A_209 : memref<1x72x64xf32, #tpu.memory_space<vmem>> -> memref<72x64xf32, #tpu.memory_space<vmem>>
      %dma_start3A_211 = arith.constant 0 : i32
      %dma_start3A_212 = tpu.memref_slice %arg5[%dma_start3A_205, %dma_start3A_211] : memref<16x128xi32, #tpu.memory_space<vmem>> -> memref<1x72xi32, #tpu.memory_space<vmem>>
      %dma_start3A_213 = tpu.memref_squeeze %dma_start3A_212 : memref<1x72xi32, #tpu.memory_space<vmem>> -> memref<72xi32, #tpu.memory_space<vmem>>
      %dma_start3A_214 = arith.constant 0 : i32
      %dma_start3A_215 = arith.constant 0 : i32
      %dma_start3A_216 = tpu.memref_slice %arg3[%dma_start3A_214, %dma_start3A_215] : memref<1000000x64xf32, #tpu.memory_space<hbm>> -> memref<1000000x64xf32, #tpu.memory_space<hbm>>
      tpu.enqueue_indirect_dma source(%dma_start3A_216 : memref<1000000x64xf32, #tpu.memory_space<hbm>>) target(%dma_start3A_210 : memref<72x64xf32, #tpu.memory_space<vmem>>) offsets(%dma_start3A_213 : memref<72xi32, #tpu.memory_space<vmem>>) semaphore(%arg9 : memref<!tpu.dma_semaphore, #tpu.memory_space<semaphore_mem>>)
      %dma_wait3A_217 = arith.constant 4 : i32
      %dma_wait3A_218 = arith.constant 0 : i32
      %dma_wait3A_219 = arith.constant 0 : i32
      %dma_wait3A_220 = arith.constant 0 : i32
      %dma_wait3A_221 = tpu.memref_slice %arg6[%dma_wait3A_218, %dma_wait3A_219, %dma_wait3A_220] : memref<2x200x64xf32, #tpu.memory_space<vmem>> -> memref<1x128x64xf32, #tpu.memory_space<vmem>>
      %dma_wait3A_222 = tpu.memref_squeeze %dma_wait3A_221 : memref<1x128x64xf32, #tpu.memory_space<vmem>> -> memref<128x64xf32, #tpu.memory_space<vmem>>
      %dma_wait3A_223 = arith.constant 0 : i32
      %dma_wait3A_224 = tpu.memref_slice %arg5[%dma_wait3A_217, %dma_wait3A_223] : memref<16x128xi32, #tpu.memory_space<vmem>> -> memref<1x128xi32, #tpu.memory_space<vmem>>
      %dma_wait3A_225 = tpu.memref_squeeze %dma_wait3A_224 : memref<1x128xi32, #tpu.memory_space<vmem>> -> memref<128xi32, #tpu.memory_space<vmem>>
      %dma_wait3A_226 = arith.constant 0 : i32
      %dma_wait3A_227 = arith.constant 0 : i32
      %dma_wait3A_228 = tpu.memref_slice %arg3[%dma_wait3A_226, %dma_wait3A_227] : memref<1000000x64xf32, #tpu.memory_space<hbm>> -> memref<1000000x64xf32, #tpu.memory_space<hbm>>
      tpu.wait_indirect_dma semaphore(%arg8 : memref<!tpu.dma_semaphore, #tpu.memory_space<semaphore_mem>>) src(%dma_wait3A_228 : memref<1000000x64xf32, #tpu.memory_space<hbm>>) dst(%dma_wait3A_222 : memref<128x64xf32, #tpu.memory_space<vmem>>)
      %dma_wait3A_229 = arith.constant 5 : i32
      %dma_wait3A_230 = arith.constant 0 : i32
      %dma_wait3A_231 = arith.constant 128 : i32
      %dma_wait3A_232 = arith.constant 0 : i32
      %dma_wait3A_233 = tpu.memref_slice %arg6[%dma_wait3A_230, %dma_wait3A_231, %dma_wait3A_232] : memref<2x200x64xf32, #tpu.memory_space<vmem>> -> memref<1x72x64xf32, #tpu.memory_space<vmem>>
      %dma_wait3A_234 = tpu.memref_squeeze %dma_wait3A_233 : memref<1x72x64xf32, #tpu.memory_space<vmem>> -> memref<72x64xf32, #tpu.memory_space<vmem>>
      %dma_wait3A_235 = arith.constant 0 : i32
      %dma_wait3A_236 = tpu.memref_slice %arg5[%dma_wait3A_229, %dma_wait3A_235] : memref<16x128xi32, #tpu.memory_space<vmem>> -> memref<1x72xi32, #tpu.memory_space<vmem>>
      %dma_wait3A_237 = tpu.memref_squeeze %dma_wait3A_236 : memref<1x72xi32, #tpu.memory_space<vmem>> -> memref<72xi32, #tpu.memory_space<vmem>>
      %dma_wait3A_238 = arith.constant 0 : i32
      %dma_wait3A_239 = arith.constant 0 : i32
      %dma_wait3A_240 = tpu.memref_slice %arg3[%dma_wait3A_238, %dma_wait3A_239] : memref<1000000x64xf32, #tpu.memory_space<hbm>> -> memref<1000000x64xf32, #tpu.memory_space<hbm>>
      tpu.wait_indirect_dma semaphore(%arg8 : memref<!tpu.dma_semaphore, #tpu.memory_space<semaphore_mem>>) src(%dma_wait3A_240 : memref<1000000x64xf32, #tpu.memory_space<hbm>>) dst(%dma_wait3A_234 : memref<72x64xf32, #tpu.memory_space<vmem>>)
      %broadcast_in_dim3A_241 = arith.constant 0.000000e+00 : f32
      %broadcast_in_dim3A_242 = vector.broadcast %broadcast_in_dim3A_241 : f32 to vector<16xf32>
      %scan3A_243 = arith.constant 0 : i32
      %scan3A_244 = arith.constant 200 : i32
      %scan3A_245 = arith.addi %scan3A_243, %scan3A_244 : i32
      %scan3A_246 = arith.constant 1 : i32
      %scan3A_247:4 = scf.for %scan3A_649 = %scan3A_243 to %scan3A_245 step %scan3A_246 iter_args(%scan3A_650 = %broadcast_in_dim3A_242, %scan3A_651 = %broadcast_in_dim3A_242, %scan3A_652 = %broadcast_in_dim3A_242, %scan3A_653 = %broadcast_in_dim3A_242) -> (vector<16xf32>, vector<16xf32>, vector<16xf32>, vector<16xf32>)  : i32 {
        %get3A = arith.constant 0 : i32
        %get3A_654 = arith.index_cast %get3A : i32 to index
        %get3A_655 = arith.index_cast %scan3A_649 : i32 to index
        %get3A_656 = arith.constant 0 : index
        %get3A_657 = tpu.vector_load %arg6[%get3A_654, %get3A_655, %get3A_656] {strides = array<i32>} : memref<2x200x64xf32, #tpu.memory_space<vmem>>, vector<1x1x16xf32>,
        %get3A_658 = vector.shape_cast %get3A_657 : vector<1x1x16xf32> to vector<16xf32>
        %add3A_659 = arith.addf %scan3A_650, %get3A_658 : vector<16xf32>
        %get3A_660 = arith.constant 0 : i32
        %get3A_661 = arith.index_cast %get3A_660 : i32 to index
        %get3A_662 = arith.index_cast %scan3A_649 : i32 to index
        %get3A_663 = arith.constant 16 : index
        %get3A_664 = tpu.vector_load %arg6[%get3A_661, %get3A_662, %get3A_663] {strides = array<i32>} : memref<2x200x64xf32, #tpu.memory_space<vmem>>, vector<1x1x16xf32>,
        %get3A_665 = vector.shape_cast %get3A_664 : vector<1x1x16xf32> to vector<16xf32>
        %add3A_666 = arith.addf %scan3A_651, %get3A_665 : vector<16xf32>
        %get3A_667 = arith.constant 0 : i32
        %get3A_668 = arith.index_cast %get3A_667 : i32 to index
        %get3A_669 = arith.index_cast %scan3A_649 : i32 to index
        %get3A_670 = arith.constant 32 : index
        %get3A_671 = tpu.vector_load %arg6[%get3A_668, %get3A_669, %get3A_670] {strides = array<i32>} : memref<2x200x64xf32, #tpu.memory_space<vmem>>, vector<1x1x16xf32>,
        %get3A_672 = vector.shape_cast %get3A_671 : vector<1x1x16xf32> to vector<16xf32>
        %add3A_673 = arith.addf %scan3A_652, %get3A_672 : vector<16xf32>
        %get3A_674 = arith.constant 0 : i32
        %get3A_675 = arith.index_cast %get3A_674 : i32 to index
        %get3A_676 = arith.index_cast %scan3A_649 : i32 to index
        %get3A_677 = arith.constant 48 : index
        %get3A_678 = tpu.vector_load %arg6[%get3A_675, %get3A_676, %get3A_677] {strides = array<i32>} : memref<2x200x64xf32, #tpu.memory_space<vmem>>, vector<1x1x16xf32>,
        %get3A_679 = vector.shape_cast %get3A_678 : vector<1x1x16xf32> to vector<16xf32>
        %add3A_680 = arith.addf %scan3A_653, %get3A_679 : vector<16xf32>
        scf.yield %add3A_659, %add3A_666, %add3A_673, %add3A_680 : vector<16xf32>, vector<16xf32>, vector<16xf32>, vector<16xf32>
      }
      %scan3A_248 = arith.constant 200 : i32
      %swap3A_249 = arith.constant 2 : i32
      %swap3A_250 = arith.index_cast %swap3A_249 : i32 to index
      %swap3A_251 = arith.constant 0 : index
      %swap3A_252 = tpu.vector_load %arg7[%swap3A_250, %swap3A_251] {strides = array<i32>} : memref<8x64xf32, #tpu.memory_space<vmem>>, vector<1x16xf32>,
      %swap3A_253 = vector.shape_cast %swap3A_252 : vector<1x16xf32> to vector<16xf32>
      %swap3A_254 = vector.shape_cast %scan3A_247#0 : vector<16xf32> to vector<1x16xf32>
      tpu.vector_store %arg7[%swap3A_250, %swap3A_251], %swap3A_254 {strides = array<i32>} : memref<8x64xf32, #tpu.memory_space<vmem>>, vector<1x16xf32>,
      %swap3A_255 = arith.constant 2 : i32
      %swap3A_256 = arith.index_cast %swap3A_255 : i32 to index
      %swap3A_257 = arith.constant 16 : index
      %swap3A_258 = tpu.vector_load %arg7[%swap3A_256, %swap3A_257] {strides = array<i32>} : memref<8x64xf32, #tpu.memory_space<vmem>>, vector<1x16xf32>,
      %swap3A_259 = vector.shape_cast %swap3A_258 : vector<1x16xf32> to vector<16xf32>
      %swap3A_260 = vector.shape_cast %scan3A_247#1 : vector<16xf32> to vector<1x16xf32>
      tpu.vector_store %arg7[%swap3A_256, %swap3A_257], %swap3A_260 {strides = array<i32>} : memref<8x64xf32, #tpu.memory_space<vmem>>, vector<1x16xf32>,
      %swap3A_261 = arith.constant 2 : i32
      %swap3A_262 = arith.index_cast %swap3A_261 : i32 to index
      %swap3A_263 = arith.constant 32 : index
      %swap3A_264 = tpu.vector_load %arg7[%swap3A_262, %swap3A_263] {strides = array<i32>} : memref<8x64xf32, #tpu.memory_space<vmem>>, vector<1x16xf32>,
      %swap3A_265 = vector.shape_cast %swap3A_264 : vector<1x16xf32> to vector<16xf32>
      %swap3A_266 = vector.shape_cast %scan3A_247#2 : vector<16xf32> to vector<1x16xf32>
      tpu.vector_store %arg7[%swap3A_262, %swap3A_263], %swap3A_266 {strides = array<i32>} : memref<8x64xf32, #tpu.memory_space<vmem>>, vector<1x16xf32>,
      %swap3A_267 = arith.constant 2 : i32
      %swap3A_268 = arith.index_cast %swap3A_267 : i32 to index
      %swap3A_269 = arith.constant 48 : index
      %swap3A_270 = tpu.vector_load %arg7[%swap3A_268, %swap3A_269] {strides = array<i32>} : memref<8x64xf32, #tpu.memory_space<vmem>>, vector<1x16xf32>,
      %swap3A_271 = vector.shape_cast %swap3A_270 : vector<1x16xf32> to vector<16xf32>
      %swap3A_272 = vector.shape_cast %scan3A_247#3 : vector<16xf32> to vector<1x16xf32>
      tpu.vector_store %arg7[%swap3A_268, %swap3A_269], %swap3A_272 {strides = array<i32>} : memref<8x64xf32, #tpu.memory_space<vmem>>, vector<1x16xf32>,
      %dma_start3A_273 = arith.constant 8 : i32
      %dma_start3A_274 = arith.constant 0 : i32
      %dma_start3A_275 = arith.constant 0 : i32
      %dma_start3A_276 = arith.constant 0 : i32
      %dma_start3A_277 = tpu.memref_slice %arg6[%dma_start3A_274, %dma_start3A_275, %dma_start3A_276] : memref<2x200x64xf32, #tpu.memory_space<vmem>> -> memref<1x128x64xf32, #tpu.memory_space<vmem>>
      %dma_start3A_278 = tpu.memref_squeeze %dma_start3A_277 : memref<1x128x64xf32, #tpu.memory_space<vmem>> -> memref<128x64xf32, #tpu.memory_space<vmem>>
      %dma_start3A_279 = arith.constant 0 : i32
      %dma_start3A_280 = tpu.memref_slice %arg5[%dma_start3A_273, %dma_start3A_279] : memref<16x128xi32, #tpu.memory_space<vmem>> -> memref<1x128xi32, #tpu.memory_space<vmem>>
      %dma_start3A_281 = tpu.memref_squeeze %dma_start3A_280 : memref<1x128xi32, #tpu.memory_space<vmem>> -> memref<128xi32, #tpu.memory_space<vmem>>
      %dma_start3A_282 = arith.constant 0 : i32
      %dma_start3A_283 = arith.constant 0 : i32
      %dma_start3A_284 = tpu.memref_slice %arg3[%dma_start3A_282, %dma_start3A_283] : memref<1000000x64xf32, #tpu.memory_space<hbm>> -> memref<1000000x64xf32, #tpu.memory_space<hbm>>
      tpu.enqueue_indirect_dma source(%dma_start3A_284 : memref<1000000x64xf32, #tpu.memory_space<hbm>>) target(%dma_start3A_278 : memref<128x64xf32, #tpu.memory_space<vmem>>) offsets(%dma_start3A_281 : memref<128xi32, #tpu.memory_space<vmem>>) semaphore(%arg8 : memref<!tpu.dma_semaphore, #tpu.memory_space<semaphore_mem>>)
      %dma_start3A_285 = arith.constant 9 : i32
      %dma_start3A_286 = arith.constant 0 : i32
      %dma_start3A_287 = arith.constant 128 : i32
      %dma_start3A_288 = arith.constant 0 : i32
      %dma_start3A_289 = tpu.memref_slice %arg6[%dma_start3A_286, %dma_start3A_287, %dma_start3A_288] : memref<2x200x64xf32, #tpu.memory_space<vmem>> -> memref<1x72x64xf32, #tpu.memory_space<vmem>>
      %dma_start3A_290 = tpu.memref_squeeze %dma_start3A_289 : memref<1x72x64xf32, #tpu.memory_space<vmem>> -> memref<72x64xf32, #tpu.memory_space<vmem>>
      %dma_start3A_291 = arith.constant 0 : i32
      %dma_start3A_292 = tpu.memref_slice %arg5[%dma_start3A_285, %dma_start3A_291] : memref<16x128xi32, #tpu.memory_space<vmem>> -> memref<1x72xi32, #tpu.memory_space<vmem>>
      %dma_start3A_293 = tpu.memref_squeeze %dma_start3A_292 : memref<1x72xi32, #tpu.memory_space<vmem>> -> memref<72xi32, #tpu.memory_space<vmem>>
      %dma_start3A_294 = arith.constant 0 : i32
      %dma_start3A_295 = arith.constant 0 : i32
      %dma_start3A_296 = tpu.memref_slice %arg3[%dma_start3A_294, %dma_start3A_295] : memref<1000000x64xf32, #tpu.memory_space<hbm>> -> memref<1000000x64xf32, #tpu.memory_space<hbm>>
      tpu.enqueue_indirect_dma source(%dma_start3A_296 : memref<1000000x64xf32, #tpu.memory_space<hbm>>) target(%dma_start3A_290 : memref<72x64xf32, #tpu.memory_space<vmem>>) offsets(%dma_start3A_293 : memref<72xi32, #tpu.memory_space<vmem>>) semaphore(%arg8 : memref<!tpu.dma_semaphore, #tpu.memory_space<semaphore_mem>>)
      %dma_wait3A_297 = arith.constant 6 : i32
      %dma_wait3A_298 = arith.constant 1 : i32
      %dma_wait3A_299 = arith.constant 0 : i32
      %dma_wait3A_300 = arith.constant 0 : i32
      %dma_wait3A_301 = tpu.memref_slice %arg6[%dma_wait3A_298, %dma_wait3A_299, %dma_wait3A_300] : memref<2x200x64xf32, #tpu.memory_space<vmem>> -> memref<1x128x64xf32, #tpu.memory_space<vmem>>
      %dma_wait3A_302 = tpu.memref_squeeze %dma_wait3A_301 : memref<1x128x64xf32, #tpu.memory_space<vmem>> -> memref<128x64xf32, #tpu.memory_space<vmem>>
      %dma_wait3A_303 = arith.constant 0 : i32
      %dma_wait3A_304 = tpu.memref_slice %arg5[%dma_wait3A_297, %dma_wait3A_303] : memref<16x128xi32, #tpu.memory_space<vmem>> -> memref<1x128xi32, #tpu.memory_space<vmem>>
      %dma_wait3A_305 = tpu.memref_squeeze %dma_wait3A_304 : memref<1x128xi32, #tpu.memory_space<vmem>> -> memref<128xi32, #tpu.memory_space<vmem>>
      %dma_wait3A_306 = arith.constant 0 : i32
      %dma_wait3A_307 = arith.constant 0 : i32
      %dma_wait3A_308 = tpu.memref_slice %arg3[%dma_wait3A_306, %dma_wait3A_307] : memref<1000000x64xf32, #tpu.memory_space<hbm>> -> memref<1000000x64xf32, #tpu.memory_space<hbm>>
      tpu.wait_indirect_dma semaphore(%arg9 : memref<!tpu.dma_semaphore, #tpu.memory_space<semaphore_mem>>) src(%dma_wait3A_308 : memref<1000000x64xf32, #tpu.memory_space<hbm>>) dst(%dma_wait3A_302 : memref<128x64xf32, #tpu.memory_space<vmem>>)
      %dma_wait3A_309 = arith.constant 7 : i32
      %dma_wait3A_310 = arith.constant 1 : i32
      %dma_wait3A_311 = arith.constant 128 : i32
      %dma_wait3A_312 = arith.constant 0 : i32
      %dma_wait3A_313 = tpu.memref_slice %arg6[%dma_wait3A_310, %dma_wait3A_311, %dma_wait3A_312] : memref<2x200x64xf32, #tpu.memory_space<vmem>> -> memref<1x72x64xf32, #tpu.memory_space<vmem>>
      %dma_wait3A_314 = tpu.memref_squeeze %dma_wait3A_313 : memref<1x72x64xf32, #tpu.memory_space<vmem>> -> memref<72x64xf32, #tpu.memory_space<vmem>>
      %dma_wait3A_315 = arith.constant 0 : i32
      %dma_wait3A_316 = tpu.memref_slice %arg5[%dma_wait3A_309, %dma_wait3A_315] : memref<16x128xi32, #tpu.memory_space<vmem>> -> memref<1x72xi32, #tpu.memory_space<vmem>>
      %dma_wait3A_317 = tpu.memref_squeeze %dma_wait3A_316 : memref<1x72xi32, #tpu.memory_space<vmem>> -> memref<72xi32, #tpu.memory_space<vmem>>
      %dma_wait3A_318 = arith.constant 0 : i32
      %dma_wait3A_319 = arith.constant 0 : i32
      %dma_wait3A_320 = tpu.memref_slice %arg3[%dma_wait3A_318, %dma_wait3A_319] : memref<1000000x64xf32, #tpu.memory_space<hbm>> -> memref<1000000x64xf32, #tpu.memory_space<hbm>>
      tpu.wait_indirect_dma semaphore(%arg9 : memref<!tpu.dma_semaphore, #tpu.memory_space<semaphore_mem>>) src(%dma_wait3A_320 : memref<1000000x64xf32, #tpu.memory_space<hbm>>) dst(%dma_wait3A_314 : memref<72x64xf32, #tpu.memory_space<vmem>>)
      %broadcast_in_dim3A_321 = arith.constant 0.000000e+00 : f32
      %broadcast_in_dim3A_322 = vector.broadcast %broadcast_in_dim3A_321 : f32 to vector<16xf32>
      %scan3A_323 = arith.constant 0 : i32
      %scan3A_324 = arith.constant 200 : i32
      %scan3A_325 = arith.addi %scan3A_323, %scan3A_324 : i32
      %scan3A_326 = arith.constant 1 : i32
      %scan3A_327:4 = scf.for %scan3A_649 = %scan3A_323 to %scan3A_325 step %scan3A_326 iter_args(%scan3A_650 = %broadcast_in_dim3A_322, %scan3A_651 = %broadcast_in_dim3A_322, %scan3A_652 = %broadcast_in_dim3A_322, %scan3A_653 = %broadcast_in_dim3A_322) -> (vector<16xf32>, vector<16xf32>, vector<16xf32>, vector<16xf32>)  : i32 {
        %get3A = arith.constant 1 : i32
        %get3A_654 = arith.index_cast %get3A : i32 to index
        %get3A_655 = arith.index_cast %scan3A_649 : i32 to index
        %get3A_656 = arith.constant 0 : index
        %get3A_657 = tpu.vector_load %arg6[%get3A_654, %get3A_655, %get3A_656] {strides = array<i32>} : memref<2x200x64xf32, #tpu.memory_space<vmem>>, vector<1x1x16xf32>,
        %get3A_658 = vector.shape_cast %get3A_657 : vector<1x1x16xf32> to vector<16xf32>
        %add3A_659 = arith.addf %scan3A_650, %get3A_658 : vector<16xf32>
        %get3A_660 = arith.constant 1 : i32
        %get3A_661 = arith.index_cast %get3A_660 : i32 to index
        %get3A_662 = arith.index_cast %scan3A_649 : i32 to index
        %get3A_663 = arith.constant 16 : index
        %get3A_664 = tpu.vector_load %arg6[%get3A_661, %get3A_662, %get3A_663] {strides = array<i32>} : memref<2x200x64xf32, #tpu.memory_space<vmem>>, vector<1x1x16xf32>,
        %get3A_665 = vector.shape_cast %get3A_664 : vector<1x1x16xf32> to vector<16xf32>
        %add3A_666 = arith.addf %scan3A_651, %get3A_665 : vector<16xf32>
        %get3A_667 = arith.constant 1 : i32
        %get3A_668 = arith.index_cast %get3A_667 : i32 to index
        %get3A_669 = arith.index_cast %scan3A_649 : i32 to index
        %get3A_670 = arith.constant 32 : index
        %get3A_671 = tpu.vector_load %arg6[%get3A_668, %get3A_669, %get3A_670] {strides = array<i32>} : memref<2x200x64xf32, #tpu.memory_space<vmem>>, vector<1x1x16xf32>,
        %get3A_672 = vector.shape_cast %get3A_671 : vector<1x1x16xf32> to vector<16xf32>
        %add3A_673 = arith.addf %scan3A_652, %get3A_672 : vector<16xf32>
        %get3A_674 = arith.constant 1 : i32
        %get3A_675 = arith.index_cast %get3A_674 : i32 to index
        %get3A_676 = arith.index_cast %scan3A_649 : i32 to index
        %get3A_677 = arith.constant 48 : index
        %get3A_678 = tpu.vector_load %arg6[%get3A_675, %get3A_676, %get3A_677] {strides = array<i32>} : memref<2x200x64xf32, #tpu.memory_space<vmem>>, vector<1x1x16xf32>,
        %get3A_679 = vector.shape_cast %get3A_678 : vector<1x1x16xf32> to vector<16xf32>
        %add3A_680 = arith.addf %scan3A_653, %get3A_679 : vector<16xf32>
        scf.yield %add3A_659, %add3A_666, %add3A_673, %add3A_680 : vector<16xf32>, vector<16xf32>, vector<16xf32>, vector<16xf32>
      }
      %scan3A_328 = arith.constant 200 : i32
      %swap3A_329 = arith.constant 3 : i32
      %swap3A_330 = arith.index_cast %swap3A_329 : i32 to index
      %swap3A_331 = arith.constant 0 : index
      %swap3A_332 = tpu.vector_load %arg7[%swap3A_330, %swap3A_331] {strides = array<i32>} : memref<8x64xf32, #tpu.memory_space<vmem>>, vector<1x16xf32>,
      %swap3A_333 = vector.shape_cast %swap3A_332 : vector<1x16xf32> to vector<16xf32>
      %swap3A_334 = vector.shape_cast %scan3A_327#0 : vector<16xf32> to vector<1x16xf32>
      tpu.vector_store %arg7[%swap3A_330, %swap3A_331], %swap3A_334 {strides = array<i32>} : memref<8x64xf32, #tpu.memory_space<vmem>>, vector<1x16xf32>,
      %swap3A_335 = arith.constant 3 : i32
      %swap3A_336 = arith.index_cast %swap3A_335 : i32 to index
      %swap3A_337 = arith.constant 16 : index
      %swap3A_338 = tpu.vector_load %arg7[%swap3A_336, %swap3A_337] {strides = array<i32>} : memref<8x64xf32, #tpu.memory_space<vmem>>, vector<1x16xf32>,
      %swap3A_339 = vector.shape_cast %swap3A_338 : vector<1x16xf32> to vector<16xf32>
      %swap3A_340 = vector.shape_cast %scan3A_327#1 : vector<16xf32> to vector<1x16xf32>
      tpu.vector_store %arg7[%swap3A_336, %swap3A_337], %swap3A_340 {strides = array<i32>} : memref<8x64xf32, #tpu.memory_space<vmem>>, vector<1x16xf32>,
      %swap3A_341 = arith.constant 3 : i32
      %swap3A_342 = arith.index_cast %swap3A_341 : i32 to index
      %swap3A_343 = arith.constant 32 : index
      %swap3A_344 = tpu.vector_load %arg7[%swap3A_342, %swap3A_343] {strides = array<i32>} : memref<8x64xf32, #tpu.memory_space<vmem>>, vector<1x16xf32>,
      %swap3A_345 = vector.shape_cast %swap3A_344 : vector<1x16xf32> to vector<16xf32>
      %swap3A_346 = vector.shape_cast %scan3A_327#2 : vector<16xf32> to vector<1x16xf32>
      tpu.vector_store %arg7[%swap3A_342, %swap3A_343], %swap3A_346 {strides = array<i32>} : memref<8x64xf32, #tpu.memory_space<vmem>>, vector<1x16xf32>,
      %swap3A_347 = arith.constant 3 : i32
      %swap3A_348 = arith.index_cast %swap3A_347 : i32 to index
      %swap3A_349 = arith.constant 48 : index
      %swap3A_350 = tpu.vector_load %arg7[%swap3A_348, %swap3A_349] {strides = array<i32>} : memref<8x64xf32, #tpu.memory_space<vmem>>, vector<1x16xf32>,
      %swap3A_351 = vector.shape_cast %swap3A_350 : vector<1x16xf32> to vector<16xf32>
      %swap3A_352 = vector.shape_cast %scan3A_327#3 : vector<16xf32> to vector<1x16xf32>
      tpu.vector_store %arg7[%swap3A_348, %swap3A_349], %swap3A_352 {strides = array<i32>} : memref<8x64xf32, #tpu.memory_space<vmem>>, vector<1x16xf32>,
      %dma_start3A_353 = arith.constant 10 : i32
      %dma_start3A_354 = arith.constant 1 : i32
      %dma_start3A_355 = arith.constant 0 : i32
      %dma_start3A_356 = arith.constant 0 : i32
      %dma_start3A_357 = tpu.memref_slice %arg6[%dma_start3A_354, %dma_start3A_355, %dma_start3A_356] : memref<2x200x64xf32, #tpu.memory_space<vmem>> -> memref<1x128x64xf32, #tpu.memory_space<vmem>>
      %dma_start3A_358 = tpu.memref_squeeze %dma_start3A_357 : memref<1x128x64xf32, #tpu.memory_space<vmem>> -> memref<128x64xf32, #tpu.memory_space<vmem>>
      %dma_start3A_359 = arith.constant 0 : i32
      %dma_start3A_360 = tpu.memref_slice %arg5[%dma_start3A_353, %dma_start3A_359] : memref<16x128xi32, #tpu.memory_space<vmem>> -> memref<1x128xi32, #tpu.memory_space<vmem>>
      %dma_start3A_361 = tpu.memref_squeeze %dma_start3A_360 : memref<1x128xi32, #tpu.memory_space<vmem>> -> memref<128xi32, #tpu.memory_space<vmem>>
      %dma_start3A_362 = arith.constant 0 : i32
      %dma_start3A_363 = arith.constant 0 : i32
      %dma_start3A_364 = tpu.memref_slice %arg3[%dma_start3A_362, %dma_start3A_363] : memref<1000000x64xf32, #tpu.memory_space<hbm>> -> memref<1000000x64xf32, #tpu.memory_space<hbm>>
      tpu.enqueue_indirect_dma source(%dma_start3A_364 : memref<1000000x64xf32, #tpu.memory_space<hbm>>) target(%dma_start3A_358 : memref<128x64xf32, #tpu.memory_space<vmem>>) offsets(%dma_start3A_361 : memref<128xi32, #tpu.memory_space<vmem>>) semaphore(%arg9 : memref<!tpu.dma_semaphore, #tpu.memory_space<semaphore_mem>>)
      %dma_start3A_365 = arith.constant 11 : i32
      %dma_start3A_366 = arith.constant 1 : i32
      %dma_start3A_367 = arith.constant 128 : i32
      %dma_start3A_368 = arith.constant 0 : i32
      %dma_start3A_369 = tpu.memref_slice %arg6[%dma_start3A_366, %dma_start3A_367, %dma_start3A_368] : memref<2x200x64xf32, #tpu.memory_space<vmem>> -> memref<1x72x64xf32, #tpu.memory_space<vmem>>
      %dma_start3A_370 = tpu.memref_squeeze %dma_start3A_369 : memref<1x72x64xf32, #tpu.memory_space<vmem>> -> memref<72x64xf32, #tpu.memory_space<vmem>>
      %dma_start3A_371 = arith.constant 0 : i32
      %dma_start3A_372 = tpu.memref_slice %arg5[%dma_start3A_365, %dma_start3A_371] : memref<16x128xi32, #tpu.memory_space<vmem>> -> memref<1x72xi32, #tpu.memory_space<vmem>>
      %dma_start3A_373 = tpu.memref_squeeze %dma_start3A_372 : memref<1x72xi32, #tpu.memory_space<vmem>> -> memref<72xi32, #tpu.memory_space<vmem>>
      %dma_start3A_374 = arith.constant 0 : i32
      %dma_start3A_375 = arith.constant 0 : i32
      %dma_start3A_376 = tpu.memref_slice %arg3[%dma_start3A_374, %dma_start3A_375] : memref<1000000x64xf32, #tpu.memory_space<hbm>> -> memref<1000000x64xf32, #tpu.memory_space<hbm>>
      tpu.enqueue_indirect_dma source(%dma_start3A_376 : memref<1000000x64xf32, #tpu.memory_space<hbm>>) target(%dma_start3A_370 : memref<72x64xf32, #tpu.memory_space<vmem>>) offsets(%dma_start3A_373 : memref<72xi32, #tpu.memory_space<vmem>>) semaphore(%arg9 : memref<!tpu.dma_semaphore, #tpu.memory_space<semaphore_mem>>)
      %dma_wait3A_377 = arith.constant 8 : i32
      %dma_wait3A_378 = arith.constant 0 : i32
      %dma_wait3A_379 = arith.constant 0 : i32
      %dma_wait3A_380 = arith.constant 0 : i32
      %dma_wait3A_381 = tpu.memref_slice %arg6[%dma_wait3A_378, %dma_wait3A_379, %dma_wait3A_380] : memref<2x200x64xf32, #tpu.memory_space<vmem>> -> memref<1x128x64xf32, #tpu.memory_space<vmem>>
      %dma_wait3A_382 = tpu.memref_squeeze %dma_wait3A_381 : memref<1x128x64xf32, #tpu.memory_space<vmem>> -> memref<128x64xf32, #tpu.memory_space<vmem>>
      %dma_wait3A_383 = arith.constant 0 : i32
      %dma_wait3A_384 = tpu.memref_slice %arg5[%dma_wait3A_377, %dma_wait3A_383] : memref<16x128xi32, #tpu.memory_space<vmem>> -> memref<1x128xi32, #tpu.memory_space<vmem>>
      %dma_wait3A_385 = tpu.memref_squeeze %dma_wait3A_384 : memref<1x128xi32, #tpu.memory_space<vmem>> -> memref<128xi32, #tpu.memory_space<vmem>>
      %dma_wait3A_386 = arith.constant 0 : i32
      %dma_wait3A_387 = arith.constant 0 : i32
      %dma_wait3A_388 = tpu.memref_slice %arg3[%dma_wait3A_386, %dma_wait3A_387] : memref<1000000x64xf32, #tpu.memory_space<hbm>> -> memref<1000000x64xf32, #tpu.memory_space<hbm>>
      tpu.wait_indirect_dma semaphore(%arg8 : memref<!tpu.dma_semaphore, #tpu.memory_space<semaphore_mem>>) src(%dma_wait3A_388 : memref<1000000x64xf32, #tpu.memory_space<hbm>>) dst(%dma_wait3A_382 : memref<128x64xf32, #tpu.memory_space<vmem>>)
      %dma_wait3A_389 = arith.constant 9 : i32
      %dma_wait3A_390 = arith.constant 0 : i32
      %dma_wait3A_391 = arith.constant 128 : i32
      %dma_wait3A_392 = arith.constant 0 : i32
      %dma_wait3A_393 = tpu.memref_slice %arg6[%dma_wait3A_390, %dma_wait3A_391, %dma_wait3A_392] : memref<2x200x64xf32, #tpu.memory_space<vmem>> -> memref<1x72x64xf32, #tpu.memory_space<vmem>>
      %dma_wait3A_394 = tpu.memref_squeeze %dma_wait3A_393 : memref<1x72x64xf32, #tpu.memory_space<vmem>> -> memref<72x64xf32, #tpu.memory_space<vmem>>
      %dma_wait3A_395 = arith.constant 0 : i32
      %dma_wait3A_396 = tpu.memref_slice %arg5[%dma_wait3A_389, %dma_wait3A_395] : memref<16x128xi32, #tpu.memory_space<vmem>> -> memref<1x72xi32, #tpu.memory_space<vmem>>
      %dma_wait3A_397 = tpu.memref_squeeze %dma_wait3A_396 : memref<1x72xi32, #tpu.memory_space<vmem>> -> memref<72xi32, #tpu.memory_space<vmem>>
      %dma_wait3A_398 = arith.constant 0 : i32
      %dma_wait3A_399 = arith.constant 0 : i32
      %dma_wait3A_400 = tpu.memref_slice %arg3[%dma_wait3A_398, %dma_wait3A_399] : memref<1000000x64xf32, #tpu.memory_space<hbm>> -> memref<1000000x64xf32, #tpu.memory_space<hbm>>
      tpu.wait_indirect_dma semaphore(%arg8 : memref<!tpu.dma_semaphore, #tpu.memory_space<semaphore_mem>>) src(%dma_wait3A_400 : memref<1000000x64xf32, #tpu.memory_space<hbm>>) dst(%dma_wait3A_394 : memref<72x64xf32, #tpu.memory_space<vmem>>)
      %broadcast_in_dim3A_401 = arith.constant 0.000000e+00 : f32
      %broadcast_in_dim3A_402 = vector.broadcast %broadcast_in_dim3A_401 : f32 to vector<16xf32>
      %scan3A_403 = arith.constant 0 : i32
      %scan3A_404 = arith.constant 200 : i32
      %scan3A_405 = arith.addi %scan3A_403, %scan3A_404 : i32
      %scan3A_406 = arith.constant 1 : i32
      %scan3A_407:4 = scf.for %scan3A_649 = %scan3A_403 to %scan3A_405 step %scan3A_406 iter_args(%scan3A_650 = %broadcast_in_dim3A_402, %scan3A_651 = %broadcast_in_dim3A_402, %scan3A_652 = %broadcast_in_dim3A_402, %scan3A_653 = %broadcast_in_dim3A_402) -> (vector<16xf32>, vector<16xf32>, vector<16xf32>, vector<16xf32>)  : i32 {
        %get3A = arith.constant 0 : i32
        %get3A_654 = arith.index_cast %get3A : i32 to index
        %get3A_655 = arith.index_cast %scan3A_649 : i32 to index
        %get3A_656 = arith.constant 0 : index
        %get3A_657 = tpu.vector_load %arg6[%get3A_654, %get3A_655, %get3A_656] {strides = array<i32>} : memref<2x200x64xf32, #tpu.memory_space<vmem>>, vector<1x1x16xf32>,
        %get3A_658 = vector.shape_cast %get3A_657 : vector<1x1x16xf32> to vector<16xf32>
        %add3A_659 = arith.addf %scan3A_650, %get3A_658 : vector<16xf32>
        %get3A_660 = arith.constant 0 : i32
        %get3A_661 = arith.index_cast %get3A_660 : i32 to index
        %get3A_662 = arith.index_cast %scan3A_649 : i32 to index
        %get3A_663 = arith.constant 16 : index
        %get3A_664 = tpu.vector_load %arg6[%get3A_661, %get3A_662, %get3A_663] {strides = array<i32>} : memref<2x200x64xf32, #tpu.memory_space<vmem>>, vector<1x1x16xf32>,
        %get3A_665 = vector.shape_cast %get3A_664 : vector<1x1x16xf32> to vector<16xf32>
        %add3A_666 = arith.addf %scan3A_651, %get3A_665 : vector<16xf32>
        %get3A_667 = arith.constant 0 : i32
        %get3A_668 = arith.index_cast %get3A_667 : i32 to index
        %get3A_669 = arith.index_cast %scan3A_649 : i32 to index
        %get3A_670 = arith.constant 32 : index
        %get3A_671 = tpu.vector_load %arg6[%get3A_668, %get3A_669, %get3A_670] {strides = array<i32>} : memref<2x200x64xf32, #tpu.memory_space<vmem>>, vector<1x1x16xf32>,
        %get3A_672 = vector.shape_cast %get3A_671 : vector<1x1x16xf32> to vector<16xf32>
        %add3A_673 = arith.addf %scan3A_652, %get3A_672 : vector<16xf32>
        %get3A_674 = arith.constant 0 : i32
        %get3A_675 = arith.index_cast %get3A_674 : i32 to index
        %get3A_676 = arith.index_cast %scan3A_649 : i32 to index
        %get3A_677 = arith.constant 48 : index
        %get3A_678 = tpu.vector_load %arg6[%get3A_675, %get3A_676, %get3A_677] {strides = array<i32>} : memref<2x200x64xf32, #tpu.memory_space<vmem>>, vector<1x1x16xf32>,
        %get3A_679 = vector.shape_cast %get3A_678 : vector<1x1x16xf32> to vector<16xf32>
        %add3A_680 = arith.addf %scan3A_653, %get3A_679 : vector<16xf32>
        scf.yield %add3A_659, %add3A_666, %add3A_673, %add3A_680 : vector<16xf32>, vector<16xf32>, vector<16xf32>, vector<16xf32>
      }
      %scan3A_408 = arith.constant 200 : i32
      %swap3A_409 = arith.constant 4 : i32
      %swap3A_410 = arith.index_cast %swap3A_409 : i32 to index
      %swap3A_411 = arith.constant 0 : index
      %swap3A_412 = tpu.vector_load %arg7[%swap3A_410, %swap3A_411] {strides = array<i32>} : memref<8x64xf32, #tpu.memory_space<vmem>>, vector<1x16xf32>,
      %swap3A_413 = vector.shape_cast %swap3A_412 : vector<1x16xf32> to vector<16xf32>
      %swap3A_414 = vector.shape_cast %scan3A_407#0 : vector<16xf32> to vector<1x16xf32>
      tpu.vector_store %arg7[%swap3A_410, %swap3A_411], %swap3A_414 {strides = array<i32>} : memref<8x64xf32, #tpu.memory_space<vmem>>, vector<1x16xf32>,
      %swap3A_415 = arith.constant 4 : i32
      %swap3A_416 = arith.index_cast %swap3A_415 : i32 to index
      %swap3A_417 = arith.constant 16 : index
      %swap3A_418 = tpu.vector_load %arg7[%swap3A_416, %swap3A_417] {strides = array<i32>} : memref<8x64xf32, #tpu.memory_space<vmem>>, vector<1x16xf32>,
      %swap3A_419 = vector.shape_cast %swap3A_418 : vector<1x16xf32> to vector<16xf32>
      %swap3A_420 = vector.shape_cast %scan3A_407#1 : vector<16xf32> to vector<1x16xf32>
      tpu.vector_store %arg7[%swap3A_416, %swap3A_417], %swap3A_420 {strides = array<i32>} : memref<8x64xf32, #tpu.memory_space<vmem>>, vector<1x16xf32>,
      %swap3A_421 = arith.constant 4 : i32
      %swap3A_422 = arith.index_cast %swap3A_421 : i32 to index
      %swap3A_423 = arith.constant 32 : index
      %swap3A_424 = tpu.vector_load %arg7[%swap3A_422, %swap3A_423] {strides = array<i32>} : memref<8x64xf32, #tpu.memory_space<vmem>>, vector<1x16xf32>,
      %swap3A_425 = vector.shape_cast %swap3A_424 : vector<1x16xf32> to vector<16xf32>
      %swap3A_426 = vector.shape_cast %scan3A_407#2 : vector<16xf32> to vector<1x16xf32>
      tpu.vector_store %arg7[%swap3A_422, %swap3A_423], %swap3A_426 {strides = array<i32>} : memref<8x64xf32, #tpu.memory_space<vmem>>, vector<1x16xf32>,
      %swap3A_427 = arith.constant 4 : i32
      %swap3A_428 = arith.index_cast %swap3A_427 : i32 to index
      %swap3A_429 = arith.constant 48 : index
      %swap3A_430 = tpu.vector_load %arg7[%swap3A_428, %swap3A_429] {strides = array<i32>} : memref<8x64xf32, #tpu.memory_space<vmem>>, vector<1x16xf32>,
      %swap3A_431 = vector.shape_cast %swap3A_430 : vector<1x16xf32> to vector<16xf32>
      %swap3A_432 = vector.shape_cast %scan3A_407#3 : vector<16xf32> to vector<1x16xf32>
      tpu.vector_store %arg7[%swap3A_428, %swap3A_429], %swap3A_432 {strides = array<i32>} : memref<8x64xf32, #tpu.memory_space<vmem>>, vector<1x16xf32>,
      %dma_start3A_433 = arith.constant 12 : i32
      %dma_start3A_434 = arith.constant 0 : i32
      %dma_start3A_435 = arith.constant 0 : i32
      %dma_start3A_436 = arith.constant 0 : i32
      %dma_start3A_437 = tpu.memref_slice %arg6[%dma_start3A_434, %dma_start3A_435, %dma_start3A_436] : memref<2x200x64xf32, #tpu.memory_space<vmem>> -> memref<1x128x64xf32, #tpu.memory_space<vmem>>
      %dma_start3A_438 = tpu.memref_squeeze %dma_start3A_437 : memref<1x128x64xf32, #tpu.memory_space<vmem>> -> memref<128x64xf32, #tpu.memory_space<vmem>>
      %dma_start3A_439 = arith.constant 0 : i32
      %dma_start3A_440 = tpu.memref_slice %arg5[%dma_start3A_433, %dma_start3A_439] : memref<16x128xi32, #tpu.memory_space<vmem>> -> memref<1x128xi32, #tpu.memory_space<vmem>>
      %dma_start3A_441 = tpu.memref_squeeze %dma_start3A_440 : memref<1x128xi32, #tpu.memory_space<vmem>> -> memref<128xi32, #tpu.memory_space<vmem>>
      %dma_start3A_442 = arith.constant 0 : i32
      %dma_start3A_443 = arith.constant 0 : i32
      %dma_start3A_444 = tpu.memref_slice %arg3[%dma_start3A_442, %dma_start3A_443] : memref<1000000x64xf32, #tpu.memory_space<hbm>> -> memref<1000000x64xf32, #tpu.memory_space<hbm>>
      tpu.enqueue_indirect_dma source(%dma_start3A_444 : memref<1000000x64xf32, #tpu.memory_space<hbm>>) target(%dma_start3A_438 : memref<128x64xf32, #tpu.memory_space<vmem>>) offsets(%dma_start3A_441 : memref<128xi32, #tpu.memory_space<vmem>>) semaphore(%arg8 : memref<!tpu.dma_semaphore, #tpu.memory_space<semaphore_mem>>)
      %dma_start3A_445 = arith.constant 13 : i32
      %dma_start3A_446 = arith.constant 0 : i32
      %dma_start3A_447 = arith.constant 128 : i32
      %dma_start3A_448 = arith.constant 0 : i32
      %dma_start3A_449 = tpu.memref_slice %arg6[%dma_start3A_446, %dma_start3A_447, %dma_start3A_448] : memref<2x200x64xf32, #tpu.memory_space<vmem>> -> memref<1x72x64xf32, #tpu.memory_space<vmem>>
      %dma_start3A_450 = tpu.memref_squeeze %dma_start3A_449 : memref<1x72x64xf32, #tpu.memory_space<vmem>> -> memref<72x64xf32, #tpu.memory_space<vmem>>
      %dma_start3A_451 = arith.constant 0 : i32
      %dma_start3A_452 = tpu.memref_slice %arg5[%dma_start3A_445, %dma_start3A_451] : memref<16x128xi32, #tpu.memory_space<vmem>> -> memref<1x72xi32, #tpu.memory_space<vmem>>
      %dma_start3A_453 = tpu.memref_squeeze %dma_start3A_452 : memref<1x72xi32, #tpu.memory_space<vmem>> -> memref<72xi32, #tpu.memory_space<vmem>>
      %dma_start3A_454 = arith.constant 0 : i32
      %dma_start3A_455 = arith.constant 0 : i32
      %dma_start3A_456 = tpu.memref_slice %arg3[%dma_start3A_454, %dma_start3A_455] : memref<1000000x64xf32, #tpu.memory_space<hbm>> -> memref<1000000x64xf32, #tpu.memory_space<hbm>>
      tpu.enqueue_indirect_dma source(%dma_start3A_456 : memref<1000000x64xf32, #tpu.memory_space<hbm>>) target(%dma_start3A_450 : memref<72x64xf32, #tpu.memory_space<vmem>>) offsets(%dma_start3A_453 : memref<72xi32, #tpu.memory_space<vmem>>) semaphore(%arg8 : memref<!tpu.dma_semaphore, #tpu.memory_space<semaphore_mem>>)
      %dma_wait3A_457 = arith.constant 10 : i32
      %dma_wait3A_458 = arith.constant 1 : i32
      %dma_wait3A_459 = arith.constant 0 : i32
      %dma_wait3A_460 = arith.constant 0 : i32
      %dma_wait3A_461 = tpu.memref_slice %arg6[%dma_wait3A_458, %dma_wait3A_459, %dma_wait3A_460] : memref<2x200x64xf32, #tpu.memory_space<vmem>> -> memref<1x128x64xf32, #tpu.memory_space<vmem>>
      %dma_wait3A_462 = tpu.memref_squeeze %dma_wait3A_461 : memref<1x128x64xf32, #tpu.memory_space<vmem>> -> memref<128x64xf32, #tpu.memory_space<vmem>>
      %dma_wait3A_463 = arith.constant 0 : i32
      %dma_wait3A_464 = tpu.memref_slice %arg5[%dma_wait3A_457, %dma_wait3A_463] : memref<16x128xi32, #tpu.memory_space<vmem>> -> memref<1x128xi32, #tpu.memory_space<vmem>>
      %dma_wait3A_465 = tpu.memref_squeeze %dma_wait3A_464 : memref<1x128xi32, #tpu.memory_space<vmem>> -> memref<128xi32, #tpu.memory_space<vmem>>
      %dma_wait3A_466 = arith.constant 0 : i32
      %dma_wait3A_467 = arith.constant 0 : i32
      %dma_wait3A_468 = tpu.memref_slice %arg3[%dma_wait3A_466, %dma_wait3A_467] : memref<1000000x64xf32, #tpu.memory_space<hbm>> -> memref<1000000x64xf32, #tpu.memory_space<hbm>>
      tpu.wait_indirect_dma semaphore(%arg9 : memref<!tpu.dma_semaphore, #tpu.memory_space<semaphore_mem>>) src(%dma_wait3A_468 : memref<1000000x64xf32, #tpu.memory_space<hbm>>) dst(%dma_wait3A_462 : memref<128x64xf32, #tpu.memory_space<vmem>>)
      %dma_wait3A_469 = arith.constant 11 : i32
      %dma_wait3A_470 = arith.constant 1 : i32
      %dma_wait3A_471 = arith.constant 128 : i32
      %dma_wait3A_472 = arith.constant 0 : i32
      %dma_wait3A_473 = tpu.memref_slice %arg6[%dma_wait3A_470, %dma_wait3A_471, %dma_wait3A_472] : memref<2x200x64xf32, #tpu.memory_space<vmem>> -> memref<1x72x64xf32, #tpu.memory_space<vmem>>
      %dma_wait3A_474 = tpu.memref_squeeze %dma_wait3A_473 : memref<1x72x64xf32, #tpu.memory_space<vmem>> -> memref<72x64xf32, #tpu.memory_space<vmem>>
      %dma_wait3A_475 = arith.constant 0 : i32
      %dma_wait3A_476 = tpu.memref_slice %arg5[%dma_wait3A_469, %dma_wait3A_475] : memref<16x128xi32, #tpu.memory_space<vmem>> -> memref<1x72xi32, #tpu.memory_space<vmem>>
      %dma_wait3A_477 = tpu.memref_squeeze %dma_wait3A_476 : memref<1x72xi32, #tpu.memory_space<vmem>> -> memref<72xi32, #tpu.memory_space<vmem>>
      %dma_wait3A_478 = arith.constant 0 : i32
      %dma_wait3A_479 = arith.constant 0 : i32
      %dma_wait3A_480 = tpu.memref_slice %arg3[%dma_wait3A_478, %dma_wait3A_479] : memref<1000000x64xf32, #tpu.memory_space<hbm>> -> memref<1000000x64xf32, #tpu.memory_space<hbm>>
      tpu.wait_indirect_dma semaphore(%arg9 : memref<!tpu.dma_semaphore, #tpu.memory_space<semaphore_mem>>) src(%dma_wait3A_480 : memref<1000000x64xf32, #tpu.memory_space<hbm>>) dst(%dma_wait3A_474 : memref<72x64xf32, #tpu.memory_space<vmem>>)
      %broadcast_in_dim3A_481 = arith.constant 0.000000e+00 : f32
      %broadcast_in_dim3A_482 = vector.broadcast %broadcast_in_dim3A_481 : f32 to vector<16xf32>
      %scan3A_483 = arith.constant 0 : i32
      %scan3A_484 = arith.constant 200 : i32
      %scan3A_485 = arith.addi %scan3A_483, %scan3A_484 : i32
      %scan3A_486 = arith.constant 1 : i32
      %scan3A_487:4 = scf.for %scan3A_649 = %scan3A_483 to %scan3A_485 step %scan3A_486 iter_args(%scan3A_650 = %broadcast_in_dim3A_482, %scan3A_651 = %broadcast_in_dim3A_482, %scan3A_652 = %broadcast_in_dim3A_482, %scan3A_653 = %broadcast_in_dim3A_482) -> (vector<16xf32>, vector<16xf32>, vector<16xf32>, vector<16xf32>)  : i32 {
        %get3A = arith.constant 1 : i32
        %get3A_654 = arith.index_cast %get3A : i32 to index
        %get3A_655 = arith.index_cast %scan3A_649 : i32 to index
        %get3A_656 = arith.constant 0 : index
        %get3A_657 = tpu.vector_load %arg6[%get3A_654, %get3A_655, %get3A_656] {strides = array<i32>} : memref<2x200x64xf32, #tpu.memory_space<vmem>>, vector<1x1x16xf32>,
        %get3A_658 = vector.shape_cast %get3A_657 : vector<1x1x16xf32> to vector<16xf32>
        %add3A_659 = arith.addf %scan3A_650, %get3A_658 : vector<16xf32>
        %get3A_660 = arith.constant 1 : i32
        %get3A_661 = arith.index_cast %get3A_660 : i32 to index
        %get3A_662 = arith.index_cast %scan3A_649 : i32 to index
        %get3A_663 = arith.constant 16 : index
        %get3A_664 = tpu.vector_load %arg6[%get3A_661, %get3A_662, %get3A_663] {strides = array<i32>} : memref<2x200x64xf32, #tpu.memory_space<vmem>>, vector<1x1x16xf32>,
        %get3A_665 = vector.shape_cast %get3A_664 : vector<1x1x16xf32> to vector<16xf32>
        %add3A_666 = arith.addf %scan3A_651, %get3A_665 : vector<16xf32>
        %get3A_667 = arith.constant 1 : i32
        %get3A_668 = arith.index_cast %get3A_667 : i32 to index
        %get3A_669 = arith.index_cast %scan3A_649 : i32 to index
        %get3A_670 = arith.constant 32 : index
        %get3A_671 = tpu.vector_load %arg6[%get3A_668, %get3A_669, %get3A_670] {strides = array<i32>} : memref<2x200x64xf32, #tpu.memory_space<vmem>>, vector<1x1x16xf32>,
        %get3A_672 = vector.shape_cast %get3A_671 : vector<1x1x16xf32> to vector<16xf32>
        %add3A_673 = arith.addf %scan3A_652, %get3A_672 : vector<16xf32>
        %get3A_674 = arith.constant 1 : i32
        %get3A_675 = arith.index_cast %get3A_674 : i32 to index
        %get3A_676 = arith.index_cast %scan3A_649 : i32 to index
        %get3A_677 = arith.constant 48 : index
        %get3A_678 = tpu.vector_load %arg6[%get3A_675, %get3A_676, %get3A_677] {strides = array<i32>} : memref<2x200x64xf32, #tpu.memory_space<vmem>>, vector<1x1x16xf32>,
        %get3A_679 = vector.shape_cast %get3A_678 : vector<1x1x16xf32> to vector<16xf32>
        %add3A_680 = arith.addf %scan3A_653, %get3A_679 : vector<16xf32>
        scf.yield %add3A_659, %add3A_666, %add3A_673, %add3A_680 : vector<16xf32>, vector<16xf32>, vector<16xf32>, vector<16xf32>
      }
      %scan3A_488 = arith.constant 200 : i32
      %swap3A_489 = arith.constant 5 : i32
      %swap3A_490 = arith.index_cast %swap3A_489 : i32 to index
      %swap3A_491 = arith.constant 0 : index
      %swap3A_492 = tpu.vector_load %arg7[%swap3A_490, %swap3A_491] {strides = array<i32>} : memref<8x64xf32, #tpu.memory_space<vmem>>, vector<1x16xf32>,
      %swap3A_493 = vector.shape_cast %swap3A_492 : vector<1x16xf32> to vector<16xf32>
      %swap3A_494 = vector.shape_cast %scan3A_487#0 : vector<16xf32> to vector<1x16xf32>
      tpu.vector_store %arg7[%swap3A_490, %swap3A_491], %swap3A_494 {strides = array<i32>} : memref<8x64xf32, #tpu.memory_space<vmem>>, vector<1x16xf32>,
      %swap3A_495 = arith.constant 5 : i32
      %swap3A_496 = arith.index_cast %swap3A_495 : i32 to index
      %swap3A_497 = arith.constant 16 : index
      %swap3A_498 = tpu.vector_load %arg7[%swap3A_496, %swap3A_497] {strides = array<i32>} : memref<8x64xf32, #tpu.memory_space<vmem>>, vector<1x16xf32>,
      %swap3A_499 = vector.shape_cast %swap3A_498 : vector<1x16xf32> to vector<16xf32>
      %swap3A_500 = vector.shape_cast %scan3A_487#1 : vector<16xf32> to vector<1x16xf32>
      tpu.vector_store %arg7[%swap3A_496, %swap3A_497], %swap3A_500 {strides = array<i32>} : memref<8x64xf32, #tpu.memory_space<vmem>>, vector<1x16xf32>,
      %swap3A_501 = arith.constant 5 : i32
      %swap3A_502 = arith.index_cast %swap3A_501 : i32 to index
      %swap3A_503 = arith.constant 32 : index
      %swap3A_504 = tpu.vector_load %arg7[%swap3A_502, %swap3A_503] {strides = array<i32>} : memref<8x64xf32, #tpu.memory_space<vmem>>, vector<1x16xf32>,
      %swap3A_505 = vector.shape_cast %swap3A_504 : vector<1x16xf32> to vector<16xf32>
      %swap3A_506 = vector.shape_cast %scan3A_487#2 : vector<16xf32> to vector<1x16xf32>
      tpu.vector_store %arg7[%swap3A_502, %swap3A_503], %swap3A_506 {strides = array<i32>} : memref<8x64xf32, #tpu.memory_space<vmem>>, vector<1x16xf32>,
      %swap3A_507 = arith.constant 5 : i32
      %swap3A_508 = arith.index_cast %swap3A_507 : i32 to index
      %swap3A_509 = arith.constant 48 : index
      %swap3A_510 = tpu.vector_load %arg7[%swap3A_508, %swap3A_509] {strides = array<i32>} : memref<8x64xf32, #tpu.memory_space<vmem>>, vector<1x16xf32>,
      %swap3A_511 = vector.shape_cast %swap3A_510 : vector<1x16xf32> to vector<16xf32>
      %swap3A_512 = vector.shape_cast %scan3A_487#3 : vector<16xf32> to vector<1x16xf32>
      tpu.vector_store %arg7[%swap3A_508, %swap3A_509], %swap3A_512 {strides = array<i32>} : memref<8x64xf32, #tpu.memory_space<vmem>>, vector<1x16xf32>,
      %dma_start3A_513 = arith.constant 14 : i32
      %dma_start3A_514 = arith.constant 1 : i32
      %dma_start3A_515 = arith.constant 0 : i32
      %dma_start3A_516 = arith.constant 0 : i32
      %dma_start3A_517 = tpu.memref_slice %arg6[%dma_start3A_514, %dma_start3A_515, %dma_start3A_516] : memref<2x200x64xf32, #tpu.memory_space<vmem>> -> memref<1x128x64xf32, #tpu.memory_space<vmem>>
      %dma_start3A_518 = tpu.memref_squeeze %dma_start3A_517 : memref<1x128x64xf32, #tpu.memory_space<vmem>> -> memref<128x64xf32, #tpu.memory_space<vmem>>
      %dma_start3A_519 = arith.constant 0 : i32
      %dma_start3A_520 = tpu.memref_slice %arg5[%dma_start3A_513, %dma_start3A_519] : memref<16x128xi32, #tpu.memory_space<vmem>> -> memref<1x128xi32, #tpu.memory_space<vmem>>
      %dma_start3A_521 = tpu.memref_squeeze %dma_start3A_520 : memref<1x128xi32, #tpu.memory_space<vmem>> -> memref<128xi32, #tpu.memory_space<vmem>>
      %dma_start3A_522 = arith.constant 0 : i32
      %dma_start3A_523 = arith.constant 0 : i32
      %dma_start3A_524 = tpu.memref_slice %arg3[%dma_start3A_522, %dma_start3A_523] : memref<1000000x64xf32, #tpu.memory_space<hbm>> -> memref<1000000x64xf32, #tpu.memory_space<hbm>>
      tpu.enqueue_indirect_dma source(%dma_start3A_524 : memref<1000000x64xf32, #tpu.memory_space<hbm>>) target(%dma_start3A_518 : memref<128x64xf32, #tpu.memory_space<vmem>>) offsets(%dma_start3A_521 : memref<128xi32, #tpu.memory_space<vmem>>) semaphore(%arg9 : memref<!tpu.dma_semaphore, #tpu.memory_space<semaphore_mem>>)
      %dma_start3A_525 = arith.constant 15 : i32
      %dma_start3A_526 = arith.constant 1 : i32
      %dma_start3A_527 = arith.constant 128 : i32
      %dma_start3A_528 = arith.constant 0 : i32
      %dma_start3A_529 = tpu.memref_slice %arg6[%dma_start3A_526, %dma_start3A_527, %dma_start3A_528] : memref<2x200x64xf32, #tpu.memory_space<vmem>> -> memref<1x72x64xf32, #tpu.memory_space<vmem>>
      %dma_start3A_530 = tpu.memref_squeeze %dma_start3A_529 : memref<1x72x64xf32, #tpu.memory_space<vmem>> -> memref<72x64xf32, #tpu.memory_space<vmem>>
      %dma_start3A_531 = arith.constant 0 : i32
      %dma_start3A_532 = tpu.memref_slice %arg5[%dma_start3A_525, %dma_start3A_531] : memref<16x128xi32, #tpu.memory_space<vmem>> -> memref<1x72xi32, #tpu.memory_space<vmem>>
      %dma_start3A_533 = tpu.memref_squeeze %dma_start3A_532 : memref<1x72xi32, #tpu.memory_space<vmem>> -> memref<72xi32, #tpu.memory_space<vmem>>
      %dma_start3A_534 = arith.constant 0 : i32
      %dma_start3A_535 = arith.constant 0 : i32
      %dma_start3A_536 = tpu.memref_slice %arg3[%dma_start3A_534, %dma_start3A_535] : memref<1000000x64xf32, #tpu.memory_space<hbm>> -> memref<1000000x64xf32, #tpu.memory_space<hbm>>
      tpu.enqueue_indirect_dma source(%dma_start3A_536 : memref<1000000x64xf32, #tpu.memory_space<hbm>>) target(%dma_start3A_530 : memref<72x64xf32, #tpu.memory_space<vmem>>) offsets(%dma_start3A_533 : memref<72xi32, #tpu.memory_space<vmem>>) semaphore(%arg9 : memref<!tpu.dma_semaphore, #tpu.memory_space<semaphore_mem>>)
      %dma_wait3A_537 = arith.constant 12 : i32
      %dma_wait3A_538 = arith.constant 0 : i32
      %dma_wait3A_539 = arith.constant 0 : i32
      %dma_wait3A_540 = arith.constant 0 : i32
      %dma_wait3A_541 = tpu.memref_slice %arg6[%dma_wait3A_538, %dma_wait3A_539, %dma_wait3A_540] : memref<2x200x64xf32, #tpu.memory_space<vmem>> -> memref<1x128x64xf32, #tpu.memory_space<vmem>>
      %dma_wait3A_542 = tpu.memref_squeeze %dma_wait3A_541 : memref<1x128x64xf32, #tpu.memory_space<vmem>> -> memref<128x64xf32, #tpu.memory_space<vmem>>
      %dma_wait3A_543 = arith.constant 0 : i32
      %dma_wait3A_544 = tpu.memref_slice %arg5[%dma_wait3A_537, %dma_wait3A_543] : memref<16x128xi32, #tpu.memory_space<vmem>> -> memref<1x128xi32, #tpu.memory_space<vmem>>
      %dma_wait3A_545 = tpu.memref_squeeze %dma_wait3A_544 : memref<1x128xi32, #tpu.memory_space<vmem>> -> memref<128xi32, #tpu.memory_space<vmem>>
      %dma_wait3A_546 = arith.constant 0 : i32
      %dma_wait3A_547 = arith.constant 0 : i32
      %dma_wait3A_548 = tpu.memref_slice %arg3[%dma_wait3A_546, %dma_wait3A_547] : memref<1000000x64xf32, #tpu.memory_space<hbm>> -> memref<1000000x64xf32, #tpu.memory_space<hbm>>
      tpu.wait_indirect_dma semaphore(%arg8 : memref<!tpu.dma_semaphore, #tpu.memory_space<semaphore_mem>>) src(%dma_wait3A_548 : memref<1000000x64xf32, #tpu.memory_space<hbm>>) dst(%dma_wait3A_542 : memref<128x64xf32, #tpu.memory_space<vmem>>)
      %dma_wait3A_549 = arith.constant 13 : i32
      %dma_wait3A_550 = arith.constant 0 : i32
      %dma_wait3A_551 = arith.constant 128 : i32
      %dma_wait3A_552 = arith.constant 0 : i32
      %dma_wait3A_553 = tpu.memref_slice %arg6[%dma_wait3A_550, %dma_wait3A_551, %dma_wait3A_552] : memref<2x200x64xf32, #tpu.memory_space<vmem>> -> memref<1x72x64xf32, #tpu.memory_space<vmem>>
      %dma_wait3A_554 = tpu.memref_squeeze %dma_wait3A_553 : memref<1x72x64xf32, #tpu.memory_space<vmem>> -> memref<72x64xf32, #tpu.memory_space<vmem>>
      %dma_wait3A_555 = arith.constant 0 : i32
      %dma_wait3A_556 = tpu.memref_slice %arg5[%dma_wait3A_549, %dma_wait3A_555] : memref<16x128xi32, #tpu.memory_space<vmem>> -> memref<1x72xi32, #tpu.memory_space<vmem>>
      %dma_wait3A_557 = tpu.memref_squeeze %dma_wait3A_556 : memref<1x72xi32, #tpu.memory_space<vmem>> -> memref<72xi32, #tpu.memory_space<vmem>>
      %dma_wait3A_558 = arith.constant 0 : i32
      %dma_wait3A_559 = arith.constant 0 : i32
      %dma_wait3A_560 = tpu.memref_slice %arg3[%dma_wait3A_558, %dma_wait3A_559] : memref<1000000x64xf32, #tpu.memory_space<hbm>> -> memref<1000000x64xf32, #tpu.memory_space<hbm>>
      tpu.wait_indirect_dma semaphore(%arg8 : memref<!tpu.dma_semaphore, #tpu.memory_space<semaphore_mem>>) src(%dma_wait3A_560 : memref<1000000x64xf32, #tpu.memory_space<hbm>>) dst(%dma_wait3A_554 : memref<72x64xf32, #tpu.memory_space<vmem>>)
      %broadcast_in_dim3A_561 = arith.constant 0.000000e+00 : f32
      %broadcast_in_dim3A_562 = vector.broadcast %broadcast_in_dim3A_561 : f32 to vector<16xf32>
      %scan3A_563 = arith.constant 0 : i32
      %scan3A_564 = arith.constant 200 : i32
      %scan3A_565 = arith.addi %scan3A_563, %scan3A_564 : i32
      %scan3A_566 = arith.constant 1 : i32
      %scan3A_567:4 = scf.for %scan3A_649 = %scan3A_563 to %scan3A_565 step %scan3A_566 iter_args(%scan3A_650 = %broadcast_in_dim3A_562, %scan3A_651 = %broadcast_in_dim3A_562, %scan3A_652 = %broadcast_in_dim3A_562, %scan3A_653 = %broadcast_in_dim3A_562) -> (vector<16xf32>, vector<16xf32>, vector<16xf32>, vector<16xf32>)  : i32 {
        %get3A = arith.constant 0 : i32
        %get3A_654 = arith.index_cast %get3A : i32 to index
        %get3A_655 = arith.index_cast %scan3A_649 : i32 to index
        %get3A_656 = arith.constant 0 : index
        %get3A_657 = tpu.vector_load %arg6[%get3A_654, %get3A_655, %get3A_656] {strides = array<i32>} : memref<2x200x64xf32, #tpu.memory_space<vmem>>, vector<1x1x16xf32>,
        %get3A_658 = vector.shape_cast %get3A_657 : vector<1x1x16xf32> to vector<16xf32>
        %add3A_659 = arith.addf %scan3A_650, %get3A_658 : vector<16xf32>
        %get3A_660 = arith.constant 0 : i32
        %get3A_661 = arith.index_cast %get3A_660 : i32 to index
        %get3A_662 = arith.index_cast %scan3A_649 : i32 to index
        %get3A_663 = arith.constant 16 : index
        %get3A_664 = tpu.vector_load %arg6[%get3A_661, %get3A_662, %get3A_663] {strides = array<i32>} : memref<2x200x64xf32, #tpu.memory_space<vmem>>, vector<1x1x16xf32>,
        %get3A_665 = vector.shape_cast %get3A_664 : vector<1x1x16xf32> to vector<16xf32>
        %add3A_666 = arith.addf %scan3A_651, %get3A_665 : vector<16xf32>
        %get3A_667 = arith.constant 0 : i32
        %get3A_668 = arith.index_cast %get3A_667 : i32 to index
        %get3A_669 = arith.index_cast %scan3A_649 : i32 to index
        %get3A_670 = arith.constant 32 : index
        %get3A_671 = tpu.vector_load %arg6[%get3A_668, %get3A_669, %get3A_670] {strides = array<i32>} : memref<2x200x64xf32, #tpu.memory_space<vmem>>, vector<1x1x16xf32>,
        %get3A_672 = vector.shape_cast %get3A_671 : vector<1x1x16xf32> to vector<16xf32>
        %add3A_673 = arith.addf %scan3A_652, %get3A_672 : vector<16xf32>
        %get3A_674 = arith.constant 0 : i32
        %get3A_675 = arith.index_cast %get3A_674 : i32 to index
        %get3A_676 = arith.index_cast %scan3A_649 : i32 to index
        %get3A_677 = arith.constant 48 : index
        %get3A_678 = tpu.vector_load %arg6[%get3A_675, %get3A_676, %get3A_677] {strides = array<i32>} : memref<2x200x64xf32, #tpu.memory_space<vmem>>, vector<1x1x16xf32>,
        %get3A_679 = vector.shape_cast %get3A_678 : vector<1x1x16xf32> to vector<16xf32>
        %add3A_680 = arith.addf %scan3A_653, %get3A_679 : vector<16xf32>
        scf.yield %add3A_659, %add3A_666, %add3A_673, %add3A_680 : vector<16xf32>, vector<16xf32>, vector<16xf32>, vector<16xf32>
      }
      %scan3A_568 = arith.constant 200 : i32
      %swap3A_569 = arith.constant 6 : i32
      %swap3A_570 = arith.index_cast %swap3A_569 : i32 to index
      %swap3A_571 = arith.constant 0 : index
      %swap3A_572 = tpu.vector_load %arg7[%swap3A_570, %swap3A_571] {strides = array<i32>} : memref<8x64xf32, #tpu.memory_space<vmem>>, vector<1x16xf32>,
      %swap3A_573 = vector.shape_cast %swap3A_572 : vector<1x16xf32> to vector<16xf32>
      %swap3A_574 = vector.shape_cast %scan3A_567#0 : vector<16xf32> to vector<1x16xf32>
      tpu.vector_store %arg7[%swap3A_570, %swap3A_571], %swap3A_574 {strides = array<i32>} : memref<8x64xf32, #tpu.memory_space<vmem>>, vector<1x16xf32>,
      %swap3A_575 = arith.constant 6 : i32
      %swap3A_576 = arith.index_cast %swap3A_575 : i32 to index
      %swap3A_577 = arith.constant 16 : index
      %swap3A_578 = tpu.vector_load %arg7[%swap3A_576, %swap3A_577] {strides = array<i32>} : memref<8x64xf32, #tpu.memory_space<vmem>>, vector<1x16xf32>,
      %swap3A_579 = vector.shape_cast %swap3A_578 : vector<1x16xf32> to vector<16xf32>
      %swap3A_580 = vector.shape_cast %scan3A_567#1 : vector<16xf32> to vector<1x16xf32>
      tpu.vector_store %arg7[%swap3A_576, %swap3A_577], %swap3A_580 {strides = array<i32>} : memref<8x64xf32, #tpu.memory_space<vmem>>, vector<1x16xf32>,
      %swap3A_581 = arith.constant 6 : i32
      %swap3A_582 = arith.index_cast %swap3A_581 : i32 to index
      %swap3A_583 = arith.constant 32 : index
      %swap3A_584 = tpu.vector_load %arg7[%swap3A_582, %swap3A_583] {strides = array<i32>} : memref<8x64xf32, #tpu.memory_space<vmem>>, vector<1x16xf32>,
      %swap3A_585 = vector.shape_cast %swap3A_584 : vector<1x16xf32> to vector<16xf32>
      %swap3A_586 = vector.shape_cast %scan3A_567#2 : vector<16xf32> to vector<1x16xf32>
      tpu.vector_store %arg7[%swap3A_582, %swap3A_583], %swap3A_586 {strides = array<i32>} : memref<8x64xf32, #tpu.memory_space<vmem>>, vector<1x16xf32>,
      %swap3A_587 = arith.constant 6 : i32
      %swap3A_588 = arith.index_cast %swap3A_587 : i32 to index
      %swap3A_589 = arith.constant 48 : index
      %swap3A_590 = tpu.vector_load %arg7[%swap3A_588, %swap3A_589] {strides = array<i32>} : memref<8x64xf32, #tpu.memory_space<vmem>>, vector<1x16xf32>,
      %swap3A_591 = vector.shape_cast %swap3A_590 : vector<1x16xf32> to vector<16xf32>
      %swap3A_592 = vector.shape_cast %scan3A_567#3 : vector<16xf32> to vector<1x16xf32>
      tpu.vector_store %arg7[%swap3A_588, %swap3A_589], %swap3A_592 {strides = array<i32>} : memref<8x64xf32, #tpu.memory_space<vmem>>, vector<1x16xf32>,
      %dma_wait3A_593 = arith.constant 14 : i32
      %dma_wait3A_594 = arith.constant 1 : i32
      %dma_wait3A_595 = arith.constant 0 : i32
      %dma_wait3A_596 = arith.constant 0 : i32
      %dma_wait3A_597 = tpu.memref_slice %arg6[%dma_wait3A_594, %dma_wait3A_595, %dma_wait3A_596] : memref<2x200x64xf32, #tpu.memory_space<vmem>> -> memref<1x128x64xf32, #tpu.memory_space<vmem>>
      %dma_wait3A_598 = tpu.memref_squeeze %dma_wait3A_597 : memref<1x128x64xf32, #tpu.memory_space<vmem>> -> memref<128x64xf32, #tpu.memory_space<vmem>>
      %dma_wait3A_599 = arith.constant 0 : i32
      %dma_wait3A_600 = tpu.memref_slice %arg5[%dma_wait3A_593, %dma_wait3A_599] : memref<16x128xi32, #tpu.memory_space<vmem>> -> memref<1x128xi32, #tpu.memory_space<vmem>>
      %dma_wait3A_601 = tpu.memref_squeeze %dma_wait3A_600 : memref<1x128xi32, #tpu.memory_space<vmem>> -> memref<128xi32, #tpu.memory_space<vmem>>
      %dma_wait3A_602 = arith.constant 0 : i32
      %dma_wait3A_603 = arith.constant 0 : i32
      %dma_wait3A_604 = tpu.memref_slice %arg3[%dma_wait3A_602, %dma_wait3A_603] : memref<1000000x64xf32, #tpu.memory_space<hbm>> -> memref<1000000x64xf32, #tpu.memory_space<hbm>>
      tpu.wait_indirect_dma semaphore(%arg9 : memref<!tpu.dma_semaphore, #tpu.memory_space<semaphore_mem>>) src(%dma_wait3A_604 : memref<1000000x64xf32, #tpu.memory_space<hbm>>) dst(%dma_wait3A_598 : memref<128x64xf32, #tpu.memory_space<vmem>>)
      %dma_wait3A_605 = arith.constant 15 : i32
      %dma_wait3A_606 = arith.constant 1 : i32
      %dma_wait3A_607 = arith.constant 128 : i32
      %dma_wait3A_608 = arith.constant 0 : i32
      %dma_wait3A_609 = tpu.memref_slice %arg6[%dma_wait3A_606, %dma_wait3A_607, %dma_wait3A_608] : memref<2x200x64xf32, #tpu.memory_space<vmem>> -> memref<1x72x64xf32, #tpu.memory_space<vmem>>
      %dma_wait3A_610 = tpu.memref_squeeze %dma_wait3A_609 : memref<1x72x64xf32, #tpu.memory_space<vmem>> -> memref<72x64xf32, #tpu.memory_space<vmem>>
      %dma_wait3A_611 = arith.constant 0 : i32
      %dma_wait3A_612 = tpu.memref_slice %arg5[%dma_wait3A_605, %dma_wait3A_611] : memref<16x128xi32, #tpu.memory_space<vmem>> -> memref<1x72xi32, #tpu.memory_space<vmem>>
      %dma_wait3A_613 = tpu.memref_squeeze %dma_wait3A_612 : memref<1x72xi32, #tpu.memory_space<vmem>> -> memref<72xi32, #tpu.memory_space<vmem>>
      %dma_wait3A_614 = arith.constant 0 : i32
      %dma_wait3A_615 = arith.constant 0 : i32
      %dma_wait3A_616 = tpu.memref_slice %arg3[%dma_wait3A_614, %dma_wait3A_615] : memref<1000000x64xf32, #tpu.memory_space<hbm>> -> memref<1000000x64xf32, #tpu.memory_space<hbm>>
      tpu.wait_indirect_dma semaphore(%arg9 : memref<!tpu.dma_semaphore, #tpu.memory_space<semaphore_mem>>) src(%dma_wait3A_616 : memref<1000000x64xf32, #tpu.memory_space<hbm>>) dst(%dma_wait3A_610 : memref<72x64xf32, #tpu.memory_space<vmem>>)
      %broadcast_in_dim3A_617 = arith.constant 0.000000e+00 : f32
      %broadcast_in_dim3A_618 = vector.broadcast %broadcast_in_dim3A_617 : f32 to vector<16xf32>
      %scan3A_619 = arith.constant 0 : i32
      %scan3A_620 = arith.constant 200 : i32
      %scan3A_621 = arith.addi %scan3A_619, %scan3A_620 : i32
      %scan3A_622 = arith.constant 1 : i32
      %scan3A_623:4 = scf.for %scan3A_649 = %scan3A_619 to %scan3A_621 step %scan3A_622 iter_args(%scan3A_650 = %broadcast_in_dim3A_618, %scan3A_651 = %broadcast_in_dim3A_618, %scan3A_652 = %broadcast_in_dim3A_618, %scan3A_653 = %broadcast_in_dim3A_618) -> (vector<16xf32>, vector<16xf32>, vector<16xf32>, vector<16xf32>)  : i32 {
        %get3A = arith.constant 1 : i32
        %get3A_654 = arith.index_cast %get3A : i32 to index
        %get3A_655 = arith.index_cast %scan3A_649 : i32 to index
        %get3A_656 = arith.constant 0 : index
        %get3A_657 = tpu.vector_load %arg6[%get3A_654, %get3A_655, %get3A_656] {strides = array<i32>} : memref<2x200x64xf32, #tpu.memory_space<vmem>>, vector<1x1x16xf32>,
        %get3A_658 = vector.shape_cast %get3A_657 : vector<1x1x16xf32> to vector<16xf32>
        %add3A_659 = arith.addf %scan3A_650, %get3A_658 : vector<16xf32>
        %get3A_660 = arith.constant 1 : i32
        %get3A_661 = arith.index_cast %get3A_660 : i32 to index
        %get3A_662 = arith.index_cast %scan3A_649 : i32 to index
        %get3A_663 = arith.constant 16 : index
        %get3A_664 = tpu.vector_load %arg6[%get3A_661, %get3A_662, %get3A_663] {strides = array<i32>} : memref<2x200x64xf32, #tpu.memory_space<vmem>>, vector<1x1x16xf32>,
        %get3A_665 = vector.shape_cast %get3A_664 : vector<1x1x16xf32> to vector<16xf32>
        %add3A_666 = arith.addf %scan3A_651, %get3A_665 : vector<16xf32>
        %get3A_667 = arith.constant 1 : i32
        %get3A_668 = arith.index_cast %get3A_667 : i32 to index
        %get3A_669 = arith.index_cast %scan3A_649 : i32 to index
        %get3A_670 = arith.constant 32 : index
        %get3A_671 = tpu.vector_load %arg6[%get3A_668, %get3A_669, %get3A_670] {strides = array<i32>} : memref<2x200x64xf32, #tpu.memory_space<vmem>>, vector<1x1x16xf32>,
        %get3A_672 = vector.shape_cast %get3A_671 : vector<1x1x16xf32> to vector<16xf32>
        %add3A_673 = arith.addf %scan3A_652, %get3A_672 : vector<16xf32>
        %get3A_674 = arith.constant 1 : i32
        %get3A_675 = arith.index_cast %get3A_674 : i32 to index
        %get3A_676 = arith.index_cast %scan3A_649 : i32 to index
        %get3A_677 = arith.constant 48 : index
        %get3A_678 = tpu.vector_load %arg6[%get3A_675, %get3A_676, %get3A_677] {strides = array<i32>} : memref<2x200x64xf32, #tpu.memory_space<vmem>>, vector<1x1x16xf32>,
        %get3A_679 = vector.shape_cast %get3A_678 : vector<1x1x16xf32> to vector<16xf32>
        %add3A_680 = arith.addf %scan3A_653, %get3A_679 : vector<16xf32>
        scf.yield %add3A_659, %add3A_666, %add3A_673, %add3A_680 : vector<16xf32>, vector<16xf32>, vector<16xf32>, vector<16xf32>
      }
      %scan3A_624 = arith.constant 200 : i32
      %swap3A_625 = arith.constant 7 : i32
      %swap3A_626 = arith.index_cast %swap3A_625 : i32 to index
      %swap3A_627 = arith.constant 0 : index
      %swap3A_628 = tpu.vector_load %arg7[%swap3A_626, %swap3A_627] {strides = array<i32>} : memref<8x64xf32, #tpu.memory_space<vmem>>, vector<1x16xf32>,
      %swap3A_629 = vector.shape_cast %swap3A_628 : vector<1x16xf32> to vector<16xf32>
      %swap3A_630 = vector.shape_cast %scan3A_623#0 : vector<16xf32> to vector<1x16xf32>
      tpu.vector_store %arg7[%swap3A_626, %swap3A_627], %swap3A_630 {strides = array<i32>} : memref<8x64xf32, #tpu.memory_space<vmem>>, vector<1x16xf32>,
      %swap3A_631 = arith.constant 7 : i32
      %swap3A_632 = arith.index_cast %swap3A_631 : i32 to index
      %swap3A_633 = arith.constant 16 : index
      %swap3A_634 = tpu.vector_load %arg7[%swap3A_632, %swap3A_633] {strides = array<i32>} : memref<8x64xf32, #tpu.memory_space<vmem>>, vector<1x16xf32>,
      %swap3A_635 = vector.shape_cast %swap3A_634 : vector<1x16xf32> to vector<16xf32>
      %swap3A_636 = vector.shape_cast %scan3A_623#1 : vector<16xf32> to vector<1x16xf32>
      tpu.vector_store %arg7[%swap3A_632, %swap3A_633], %swap3A_636 {strides = array<i32>} : memref<8x64xf32, #tpu.memory_space<vmem>>, vector<1x16xf32>,
      %swap3A_637 = arith.constant 7 : i32
      %swap3A_638 = arith.index_cast %swap3A_637 : i32 to index
      %swap3A_639 = arith.constant 32 : index
      %swap3A_640 = tpu.vector_load %arg7[%swap3A_638, %swap3A_639] {strides = array<i32>} : memref<8x64xf32, #tpu.memory_space<vmem>>, vector<1x16xf32>,
      %swap3A_641 = vector.shape_cast %swap3A_640 : vector<1x16xf32> to vector<16xf32>
      %swap3A_642 = vector.shape_cast %scan3A_623#2 : vector<16xf32> to vector<1x16xf32>
      tpu.vector_store %arg7[%swap3A_638, %swap3A_639], %swap3A_642 {strides = array<i32>} : memref<8x64xf32, #tpu.memory_space<vmem>>, vector<1x16xf32>,
      %swap3A_643 = arith.constant 7 : i32
      %swap3A_644 = arith.index_cast %swap3A_643 : i32 to index
      %swap3A_645 = arith.constant 48 : index
      %swap3A_646 = tpu.vector_load %arg7[%swap3A_644, %swap3A_645] {strides = array<i32>} : memref<8x64xf32, #tpu.memory_space<vmem>>, vector<1x16xf32>,
      %swap3A_647 = vector.shape_cast %swap3A_646 : vector<1x16xf32> to vector<16xf32>
      %swap3A_648 = vector.shape_cast %scan3A_623#3 : vector<16xf32> to vector<1x16xf32>
      tpu.vector_store %arg7[%swap3A_644, %swap3A_645], %swap3A_648 {strides = array<i32>} : memref<8x64xf32, #tpu.memory_space<vmem>>, vector<1x16xf32>,
      "tpu.region"() ({
        %run_scoped3A = tpu.sem_alloc : memref<!tpu.dma_semaphore, #tpu.memory_space<semaphore_mem>>
        %dma_start3A_649 = arith.constant 0 : i32
        %dma_start3A_650 = tpu.memref_slice %arg4[%add3A_10, %dma_start3A_649] : memref<16384x64xf32, #tpu.memory_space<hbm>> -> memref<8x64xf32, #tpu.memory_space<hbm>>
        %dma_start3A_651 = arith.constant 0 : i32
        %dma_start3A_652 = tpu.memref_slice %arg4[%add3A_10, %dma_start3A_651] : memref<16384x64xf32, #tpu.memory_space<hbm>> -> memref<8x64xf32, #tpu.memory_space<hbm>>
        tpu.enqueue_dma source(%arg7 : memref<8x64xf32, #tpu.memory_space<vmem>>) target(%dma_start3A_652 : memref<8x64xf32, #tpu.memory_space<hbm>>) target_semaphore(%run_scoped3A : memref<!tpu.dma_semaphore, #tpu.memory_space<semaphore_mem>>)
        %dma_wait3A_653 = arith.constant 0 : i32
        %dma_wait3A_654 = tpu.memref_slice %arg4[%add3A_10, %dma_wait3A_653] : memref<16384x64xf32, #tpu.memory_space<hbm>> -> memref<8x64xf32, #tpu.memory_space<hbm>>
        %dma_wait3A_655 = arith.constant 0 : i32
        %dma_wait3A_656 = tpu.memref_slice %arg4[%add3A_10, %dma_wait3A_655] : memref<16384x64xf32, #tpu.memory_space<hbm>> -> memref<8x64xf32, #tpu.memory_space<hbm>>
        tpu.wait_dma2 semaphore(%run_scoped3A : memref<!tpu.dma_semaphore, #tpu.memory_space<semaphore_mem>>) src(%arg7 : memref<8x64xf32, #tpu.memory_space<vmem>>) dst(%dma_wait3A_656 : memref<8x64xf32, #tpu.memory_space<hbm>>)
        tpu.yield
      }) : () -> ()
    }
    %scan3A_6 = arith.constant 64 : i32
    return
  }
}

module attributes {stable_mosaic.version = 14 : i64} {
  func.func @_mlp_body(%arg0: i32, %arg1: memref<2048x200xi32, #tpu.memory_space<vmem>>, %arg2: memref<2048x64xf32, #tpu.memory_space<vmem>>, %arg3: memref<64x128xf32, #tpu.memory_space<vmem>>, %arg4: memref<1x128xf32, #tpu.memory_space<vmem>>, %arg5: memref<128x2xf32, #tpu.memory_space<vmem>>, %arg6: memref<1x2xf32, #tpu.memory_space<vmem>>, %arg7: memref<2048x2xf32, #tpu.memory_space<vmem>>) attributes {dimension_semantics = [#tpu.dimension_semantics<arbitrary>], iteration_bounds = array<i64: 8>, scalar_prefetch = 0 : i64, scratch_operands = 0 : i64, tpu.core_type = #tpu.core_type<tc>, window_params = [{transform_indices = @transform_0, window_bounds = array<i64: 2048, 200>}, {transform_indices = @transform_1, window_bounds = array<i64: 2048, 64>}, {pipeline_mode = #tpu.pipeline_mode<synchronous>, transform_indices = @transform_2, window_bounds = array<i64: 64, 128>}, {pipeline_mode = #tpu.pipeline_mode<synchronous>, transform_indices = @transform_3, window_bounds = array<i64: 1, 128>}, {pipeline_mode = #tpu.pipeline_mode<synchronous>, transform_indices = @transform_4, window_bounds = array<i64: 128, 2>}, {pipeline_mode = #tpu.pipeline_mode<synchronous>, transform_indices = @transform_5, window_bounds = array<i64: 1, 2>}, {transform_indices = @transform_6, window_bounds = array<i64: 2048, 2>}]} {
    %get3A = arith.constant 0 : index
    %get3A_0 = arith.constant 0 : index
    %get3A_1 = vector.load %arg1[%get3A, %get3A_0] : memref<2048x200xi32, #tpu.memory_space<vmem>>, vector<2048x200xi32>
    %ne3A = arith.constant 0 : i32
    %ne3A_2 = vector.broadcast %ne3A : i32 to vector<2048x200xi32>
    %ne3A_3 = arith.cmpi ne, %get3A_1, %ne3A_2 : vector<2048x200xi32>
    %convert_element_type3A = arith.extui %ne3A_3 : vector<2048x200xi1> to vector<2048x200xi32>
    %convert_element_type3A_4 = arith.sitofp %convert_element_type3A : vector<2048x200xi32> to vector<2048x200xf32>
    %reduce_sum3A = arith.constant dense<0.000000e+00> : vector<2048xf32>
    %reduce_sum3A_5 = vector.multi_reduction <add>, %convert_element_type3A_4, %reduce_sum3A [1] : vector<2048x200xf32> to vector<2048xf32>
    %broadcast_in_dim3A = vector.shape_cast %reduce_sum3A_5 : vector<2048xf32> to vector<2048x1xf32>
    %max3A = arith.constant 1.000000e+00 : f32
    %max3A_6 = vector.broadcast %max3A : f32 to vector<2048x1xf32>
    %max3A_7 = arith.maximumf %broadcast_in_dim3A, %max3A_6 : vector<2048x1xf32>
    %get3A_8 = arith.constant 0 : index
    %get3A_9 = arith.constant 0 : index
    %get3A_10 = vector.load %arg2[%get3A_8, %get3A_9] : memref<2048x64xf32, #tpu.memory_space<vmem>>, vector<2048x64xf32>
    %div3A = vector.broadcast %max3A_7 : vector<2048x1xf32> to vector<2048x64xf32>
    %div3A_11 = arith.divf %get3A_10, %div3A : vector<2048x64xf32>
    %get3A_12 = arith.constant 0 : index
    %get3A_13 = arith.constant 0 : index
    %get3A_14 = vector.load %arg3[%get3A_12, %get3A_13] : memref<64x128xf32, #tpu.memory_space<vmem>>, vector<64x128xf32>
    %dot_general3A = arith.constant dense<0.000000e+00> : vector<2048x128xf32>
    %dot_general3A_15 = tpu.matmul %div3A_11, %get3A_14, %dot_general3A {dimension_numbers = #tpu.dot_dimension_numbers<[1], [0], [0], [1], [0, 0, 1, 1], [], []>, transpose_lhs_hint = false} : vector<2048x64xf32>, vector<64x128xf32>, vector<2048x128xf32> -> vector<2048x128xf32>
    %get3A_16 = arith.constant 0 : index
    %get3A_17 = arith.constant 0 : index
    %get3A_18 = vector.load %arg4[%get3A_16, %get3A_17] : memref<1x128xf32, #tpu.memory_space<vmem>>, vector<1x128xf32>
    %add3A = vector.broadcast %get3A_18 : vector<1x128xf32> to vector<2048x128xf32>
    %add3A_19 = arith.addf %dot_general3A_15, %add3A : vector<2048x128xf32>
    %max3A_20 = arith.constant 0.000000e+00 : f32
    %max3A_21 = vector.broadcast %max3A_20 : f32 to vector<2048x128xf32>
    %max3A_22 = arith.maximumf %add3A_19, %max3A_21 : vector<2048x128xf32>
    %get3A_23 = arith.constant 0 : index
    %get3A_24 = arith.constant 0 : index
    %get3A_25 = vector.load %arg5[%get3A_23, %get3A_24] : memref<128x2xf32, #tpu.memory_space<vmem>>, vector<128x2xf32>
    %dot_general3A_26 = arith.constant dense<0.000000e+00> : vector<2048x2xf32>
    %dot_general3A_27 = tpu.matmul %max3A_22, %get3A_25, %dot_general3A_26 {dimension_numbers = #tpu.dot_dimension_numbers<[1], [0], [0], [1], [0, 0, 1, 1], [], []>, transpose_lhs_hint = false} : vector<2048x128xf32>, vector<128x2xf32>, vector<2048x2xf32> -> vector<2048x2xf32>
    %get3A_28 = arith.constant 0 : index
    %get3A_29 = arith.constant 0 : index
    %get3A_30 = vector.load %arg6[%get3A_28, %get3A_29] : memref<1x2xf32, #tpu.memory_space<vmem>>, vector<1x2xf32>
    %add3A_31 = vector.broadcast %get3A_30 : vector<1x2xf32> to vector<2048x2xf32>
    %add3A_32 = arith.addf %dot_general3A_27, %add3A_31 : vector<2048x2xf32>
    %swap3A = arith.constant 0 : index
    %swap3A_33 = arith.constant 0 : index
    %swap3A_34 = vector.load %arg7[%swap3A, %swap3A_33] : memref<2048x2xf32, #tpu.memory_space<vmem>>, vector<2048x2xf32>
    tpu.vector_store %arg7[%swap3A, %swap3A_33], %add3A_32 {strides = array<i32>} : memref<2048x2xf32, #tpu.memory_space<vmem>>, vector<2048x2xf32>,
    return
  }
  func.func @transform_0(%arg0: i32) -> (i32, i32) {
    %c0_i32 = arith.constant 0 : i32
    %c0_i32_0 = arith.constant 0 : i32
    return %arg0, %c0_i32 : i32, i32
  }
  func.func @transform_1(%arg0: i32) -> (i32, i32) {
    %c0_i32 = arith.constant 0 : i32
    %c0_i32_0 = arith.constant 0 : i32
    return %arg0, %c0_i32 : i32, i32
  }
  func.func @transform_2(%arg0: i32) -> (i32, i32) {
    %c0_i32 = arith.constant 0 : i32
    %c0_i32_0 = arith.constant 0 : i32
    %c0_i32_1 = arith.constant 0 : i32
    return %c0_i32, %c0_i32_0 : i32, i32
  }
  func.func @transform_3(%arg0: i32) -> (i32, i32) {
    %c0_i32 = arith.constant 0 : i32
    %c0_i32_0 = arith.constant 0 : i32
    %c0_i32_1 = arith.constant 0 : i32
    return %c0_i32, %c0_i32_0 : i32, i32
  }
  func.func @transform_4(%arg0: i32) -> (i32, i32) {
    %c0_i32 = arith.constant 0 : i32
    %c0_i32_0 = arith.constant 0 : i32
    %c0_i32_1 = arith.constant 0 : i32
    return %c0_i32, %c0_i32_0 : i32, i32
  }
  func.func @transform_5(%arg0: i32) -> (i32, i32) {
    %c0_i32 = arith.constant 0 : i32
    %c0_i32_0 = arith.constant 0 : i32
    %c0_i32_1 = arith.constant 0 : i32
    return %c0_i32, %c0_i32_0 : i32, i32
  }
  func.func @transform_6(%arg0: i32) -> (i32, i32) {
    %c0_i32 = arith.constant 0 : i32
    %c0_i32_0 = arith.constant 0 : i32
    return %arg0, %c0_i32 : i32, i32
  }
}

</mosaic_0001>

<sc_bundles>
// kernel: kernel.4.cloned.1.call-start
scs
__scs_entry_jumppad:
0x0: {  	(pc) =	sbr.rel $0x88, $3  }
0x1: {  	(tag) =	ssettag $0x0;
	lr =	simm.s32 $0x1  }
0x2: {  	[smem:$0x3F9B] =	sst lr;
	_ =	strace $0xD0000000  }
0x3: {  	_ = 	snop  }
0x4: {  	_ = 	snop  }
0x5: {  	_ = 	snop  }
0x6: {  	_ = 	snop  }
0x7: {  	_ = 	snop  }
__scs_overlays_trampoline_lowered:
0x8: {  	[smem:$0x3FAA] =	sst s0  }
0x9: {  	[smem:$0x3FAB] =	sst s1  }
0xa: {  	[smem:$0x3FAC] =	sst s2  }
0xb: {  	[smem:$0x3FAD] =	sst s3  }
0xc: {  	[smem:$0x3FAE] =	sst s4  }
0xd: {  	[smem:$0x3FAF] =	sst s5  }
0xe: {  	[smem:$0x3FB0] =	sst s6  }
0xf: {  	[smem:$0x3FB1] =	sst s7  }
0x10: {  	[smem:$0x3FB2] =	sst s8  }
0x11: {  	[smem:$0x3FB3] =	sst s9;
	s0 =	simm.s32 @!p0 $0x0  }
0x12: {  	s1 =	sld [smem:$0x3F99];
	s0 =	simm.s32 @p0 $0x1  }
0x13: {  	[smem:$0x3FB4] =	sst s0;
	s0 =	simm.s32 @!p1 $0x0  }
0x14: {  	s2 =	sld [smem:$0x3F98];
	s0 =	simm.s32 @p1 $0x1  }
0x15: {  	[smem:$0x3FB5] =	sst s0;
	s0 =	simm.s32 @!p2 $0x0  }
0x16: {  	s3 =	sld [smem:$0x3FDB];
	s0 =	simm.s32 @p2 $0x1  }
0x17: {  	s4 =	simm.s32 $0x1BF5;
	[smem:$0x3FB7] =	sst s0  }
0x18: {  	s0 =	sld [smem:$0x3F9A];
	_ =	swait.ge [sflag:s4], $0x0  }
0x19: {  	s7 =	sld [smem:$0x3F9B]  }
0x1a: {  	s8 =	sadd.s32 $0xFFFFE003, lr  }
0x1b: {  	s9 =	sadd.s32 $0xFFFFFEF7, lr;
	s5 =	simm.s32 $0xFFFFFFFF;
	p2 =	slt.u32 s8, $0xFFFFF086  }
0x1c: {  	p1 =	slt.u32 s9, $0xF7A;
	s5 =	simm.s32 @!p2 $0x0  }
0x1d: {  	s5 =	simm.s32 @p1 $0x1;
	p0 =	seq.s32 s7, s2  }
0x1e: {  	s7 =	smul.u32 @!p0 $0xF7A, s2;
	p2 =	seq.s32 @!p0 s5, $0x0  }
0x1f: {  	s9 =	smul.u32 $0xF7A, s1;
	s8 =	simm.s32 @!p0 $0x1BF5;
	p2 =	por !p2, p0  }
0x20: {  	[sflag:s8] =	ssyncset.s32 @!p0 $0xFFFFF086;
	s6 =	sadd.s32 @!p0 s3, s7;
	s7 =	simm.s32 @!p0 $0x108  }
0x21: {  	s3 =	sadd.s32 s3, s9;
	s6 =	sadd.s32 @!p0 $0x88, s6;
	s7 =	simm.s32 @p2 $0x1082  }
0x22: {  	[simem:s7], [sflag:s8] =	dma.local @!p0 [hbm:s6], $0xF7A  }
0x23: {  	s9 =	sor.u32 $0xD0000000, s2;
	s6 =	simm.s32 $0x108;
	_ =	swait.ge @!p0 [sflag:s8], $0x0  }
0x24: {  	s3 =	sadd.s32 $0x88, s3;
	s6 =	simm.s32 @!p1 $0x1082;
	[sflag:s4] =	ssyncset.s32 $0xFFFFF086  }
0x25: {  	[simem:s6], [sflag:s4] =	dma.local [hbm:s3], $0xF7A  }
0x26: {  	[smem:$0x3F9B] =	sst s1;
	(tag) =	ssettag s2;
	_ =	strace s9  }
0x27: {  	s1 =	sld [smem:$0x3FAB]  }
0x28: {  	s2 =	sld [smem:$0x3FAC]  }
0x29: {  	s4 =	sld [smem:$0x3FAE]  }
0x2a: {  	p0 =	seq.s32 s5, $0x0;
	s5 =	sld [smem:$0x3FAF]  }
0x2b: {  	s6 =	sld [smem:$0x3FB0]  }
0x2c: {  	s7 =	sld [smem:$0x3FB1]  }
0x2d: {  	s3 =	simm.s32 $0x108;
	s8 =	sld [smem:$0x3FB2]  }
0x2e: {  	s3 =	simm.s32 @!p0 $0x1082;
	s9 =	sld [smem:$0x3FB3]  }
0x2f: {  	lr =	sadd.s32 s0, s3;
	s0 =	sld [smem:$0x3FAA]  }
0x30: {  	s3 =	sld [smem:$0x3FAD]  }
0x31: {  	[smem:$0x3FB6] =	sst s10  }
0x32: {  	s10 =	sld [smem:$0x3FB4];
	_ =	sdelay $0x3  }
0x33: {  	p0 =	seq.s32 s10, $0x1;
	s10 =	sld [smem:$0x3FB6];
	_ =	sdelay $0x3  }
0x34: {  	[smem:$0x3FB6] =	sst s10  }
0x35: {  	s10 =	sld [smem:$0x3FB5];
	_ =	sdelay $0x3  }
0x36: {  	p1 =	seq.s32 s10, $0x1;
	s10 =	sld [smem:$0x3FB6];
	_ =	sdelay $0x3  }
0x37: {  	[smem:$0x3FB6] =	sst s10  }
0x38: {  	s10 =	sld [smem:$0x3FB7]  }
0x39: {  	_ = 	snop;
	(pc) =	sbr.ind lr, $3  }
0x3a: {  	_ = 	snop  }
0x3b: {  	_ = 	snop  }
0x3c: {  	p2 =	seq.s32 s10, $0x1;
	s10 =	sld [smem:$0x3FB6]  }
0x3d: {  	_ =	shalt  }
0x3e: {  	_ =	shalt  }
0x3f: {  	_ =	shalt  }
0x40: {  	_ =	shalt  }
0x41: {  	_ =	shalt  }
0x42: {  	_ =	shalt  }
0x43: {  	_ =	shalt  }
0x44: {  	_ =	shalt  }
0x45: {  	_ =	shalt  }
0x46: {  	_ =	shalt  }
0x47: {  	_ =	shalt  }
0x48: {  	_ =	shalt  }
0x49: {  	_ =	shalt  }
0x4a: {  	_ =	shalt  }
0x4b: {  	_ =	shalt  }
0x4c: {  	_ =	shalt  }
0x4d: {  	_ =	shalt  }
0x4e: {  	_ =	shalt  }
0x4f: {  	_ =	shalt  }
0x50: {  	_ =	shalt  }
0x51: {  	_ =	shalt  }
0x52: {  	_ =	shalt  }
0x53: {  	_ =	shalt  }
0x54: {  	_ =	shalt  }
0x55: {  	_ =	shalt  }
0x56: {  	_ =	shalt  }
0x57: {  	_ =	shalt  }
0x58: {  	_ =	shalt  }
0x59: {  	_ =	shalt  }
0x5a: {  	_ =	shalt  }
0x5b: {  	_ =	shalt  }
0x5c: {  	_ =	shalt  }
0x5d: {  	_ =	shalt  }
0x5e: {  	_ =	shalt  }
0x5f: {  	_ =	shalt  }
0x60: {  	_ =	shalt  }
0x61: {  	_ =	shalt  }
0x62: {  	_ =	shalt  }
0x63: {  	_ =	shalt  }
0x64: {  	_ =	shalt  }
0x65: {  	_ =	shalt  }
0x66: {  	_ =	shalt  }
0x67: {  	_ =	shalt  }
0x68: {  	_ =	shalt  }
0x69: {  	_ =	shalt  }
0x6a: {  	_ =	shalt  }
0x6b: {  	_ =	shalt  }
0x6c: {  	_ =	shalt  }
0x6d: {  	_ =	shalt  }
0x6e: {  	_ =	shalt  }
0x6f: {  	_ =	shalt  }
0x70: {  	_ =	shalt  }
0x71: {  	_ =	shalt  }
0x72: {  	_ =	shalt  }
0x73: {  	_ =	shalt  }
0x74: {  	_ =	shalt  }
0x75: {  	_ =	shalt  }
0x76: {  	_ =	shalt  }
0x77: {  	_ =	shalt  }
0x78: {  	_ =	shalt  }
0x79: {  	_ =	shalt  }
0x7a: {  	_ =	shalt  }
0x7b: {  	_ =	shalt  }
0x7c: {  	_ =	shalt  }
0x7d: {  	_ =	shalt  }
0x7e: {  	_ =	shalt  }
0x7f: {  	_ =	shalt  }
0x80: {  	_ =	shalt  }
0x81: {  	_ =	shalt  }
0x82: {  	_ =	shalt  }
0x83: {  	_ =	shalt  }
0x84: {  	_ =	shalt  }
0x85: {  	_ =	shalt  }
0x86: {  	_ =	shalt  }
0x87: {  	_ =	shalt  }
.Lfunc_end0:
.L_simem_size_0:
called_computation_lowered:
.L_overlay_start_0:
0x88: {  	s2 =	sld [smem:$0x3FD9]  }
0x89: {  	s3 =	sld [smem:$0x3FFE];
	_ =	sdelay $0x1  }
0x8a: {  	s1 =	srdreg.scid  }
0x8b: {  	s0 =	sand.u32 $0x1, s1  }
0x8c: {  	s16 =	sshll.u32 s0, $0xA;
	s2 =	sadd.s32 s3, s2  }
0x8d: {  	s2 =	sadd.s32 s2, s16  }
0x8e: {  	[smem:$0x3FC2] =	sst s2  }
0x8f: {  	_ = 	snop  }
0x90: {  	(tm) =	ssettm $0x1  }
0x91: {  	s17 =	sld [smem:$0x3FFB];
	_ =	sdelay $0x3  }
0x92: {  	_ =	strace s17  }
0x93: {  	s2 =	sld [smem:$0x3FFC];
	_ =	sdelay $0x3  }
0x94: {  	_ =	strace s2  }
0x95: {  	s2 =	sld [smem:$0x3FFD];
	_ =	sdelay $0x3  }
0x96: {  	_ =	strace s2  }
0x97: {  	_ =	strace $0x8FFFFFFF  }
0x98: {  	s18 =	sld [smem:$0x3FDB];
	_ =	sdelay $0x1  }
0x99: {  	s19 =	simm.s32 $_scs_section_size  }
0x9a: {  	s4 =	simm.s32 $_size__tile_overlayer_lowered;
	s5 =	simm.s32 $_tile_overlayer_lowered  }
0x9b: {  	s22 =	simm.s32 $0x1BFF;
	s21 =	sshll.u32 s5, $0x1;
	s2 =	sadd.s32 s19, s18  }
0x9c: {  	s6 =	simm.s32 $0x0;
	s20 =	sshll.u32 s4, $0x1;
	s4 =	sadd.s32 s21, s2  }
0x9d: {  	[timem:s6], [sflag:s22] =	dma.local [hbm:s4], s20  }
0x9e: {  	_ =	swait.ge [sflag:s22], s20  }
0x9f: {  	s3 =	ssub.s32 $0x0, s20;
	[sflag:s22] =	ssyncset.done $0x0  }
0xa0: {  	[sflag:s22] =	ssyncadd.s32 s3;
	_ =	sdelay $0x1  }
0xa1: {  	s23 =	simm.s32 $0x1B8B  }
0xa2: {  	_ =	swait.ge [sflag:s23], $0x1  }
0xa3: {  	[sflag:s23] =	ssyncset.done $0x0  }
0xa4: {  	s25 =	simm.s32 $0x1B8E;
	s24 =	sld [smem:$0x3FFE];
	[sflag:s23] =	ssyncadd.s32 $0xFFFFFFFF  }
0xa5: {  	s26 =	simm.s32 $execute0_lowered;
	[smem:$0x3FD2] =	sst s25  }
0xa6: {  	s4 =	sshll.u32 s26, $0x1;
	_ =	strace $0x80000046;
	[dreg:$0x1] =	wrdreg $0xFFFFFFFF  }
0xa7: {  	s28 =	simm.s32 $_size_execute0_lowered;
	s2 =	sadd.s32 s2, s4;
	[dreg:$0x0] =	wrdreg $0x0  }
0xa8: {  	s4 =	sshll.u32 s28, $0x1;
	[dreg:$0x2] =	wrdreg s2  }
0xa9: {  	[dreg:$0x3] =	wrdreg s4  }
0xaa: {  	[dreg:$0x4] =	wrdreg $0xC0  }
0xab: {  	_ =	task [dreg:s6], $0x5FFFF  }
0xac: {  	[dreg:$0x1] =	wrdreg $0xFFFFFFFF  }
0xad: {  	[dreg:$0x0] =	wrdreg $0x60  }
0xae: {  	[dreg:$0x2] =	wrdreg s24  }
0xaf: {  	[dreg:$0x3] =	wrdreg $0x9  }
0xb0: {  	_ =	task.clear_ibuf [dreg:s6], $0x4FFFF;
	_ =	strace $0x90000046  }
0xb1: {  	s29 =	simm.s32 $0x9;
	_ =	strace $0x80000048  }
0xb2: {  	_ =	swait.ge [sflag:s29], $0x1  }
0xb3: {  	[sflag:s29] =	ssyncadd.s32 $0xFFFFFFFF  }
0xb4: {  	_ =	strace $0x90000048  }
0xb5: {  	_ =	sfence  }
0xb6: {  	s30 =	sld [smem:$0x0];
	_ =	sdelay $0x2  }
0xb7: {  	s31 =	sshll.u32 s1, $0xD;
	s1 =	sshrl.u32 s1, $0x2  }
0xb8: {  	s3 =	sand.u32 $0x4000, s31;
	s1 =	sadd.s32 s1, s30  }
0xb9: {  	s0 =	sor.u32 s3, s0;
	s1 =	sshll.u32 s1, $0x11  }
0xba: {  	s0 =	sor.u32 s1, s0  }
0xbb: {  	s0 =	sadd.s32 $0x8F2B, s0  }
0xbc: {  	[sflag:s0] =	ssyncadd.remote.s32 $0x1  }
0xbd: {  	_ =	sfence.sel $0xFFFF  }
0xbe: {  	[dreg:$0x0] =	wrdreg $0xFFFFFFFF;
	(pc) =	sbr.abs _section_cstart, $3  }
0xbf: {  	[dreg:$0x1] =	wrdreg $0xFFFFFFFF  }
0xc0: {  	_ =	task.clear_ibuf [dreg:s6], $0x2FFFF;
	_ =	strace $0x9FFFFFFF  }
0xc1: {  	(tm) =	ssettm $0x7FFFFFFF  }
tec
execute0_lowered:
.L_overlay_start_1:
0x0: {  	(tag) =	ssettag $0x1  }
0x1: {  	s0 =	rddreg [dreg:$0x0];
	s1 =	simm.s32 $0x0;
	s24 =	srdreg.scid  }
0x2: {  	s6 =	stileid.u32;
	s8 =	simm.s32 $0x3;
	s9 =	simm.s32 $0x80  }
0x3: {  	s10 =	simm.s32 $0x800;
	s11 =	simm.s32 $0x48;
	s12 =	simm.s32 $0x2800  }
0x4: {  	s14 =	simm.s32 $0x3A00;
	s15 =	simm.s32 $0x180;
	s16 =	simm.s32 $0x5A00  }
0x5: {  	s17 =	simm.s32 $0x1;
	s18 =	simm.s32 $0x200;
	s19 =	simm.s32 $0x280  }
0x6: {  	s20 =	simm.s32 $0x2;
	s21 =	simm.s32 $0x300;
	s22 =	simm.s32 $0x380  }
0x7: {  	s23 =	simm.s32 $0x400;
	s28 =	simm.s32 $0x600;
	s29 =	simm.s32 $0x680  }
0x8: {  	s30 =	simm.s32 $0x700;
	s31 =	simm.s32 $0x780;
	[smem:$0x7FF] =	sst s1  }
0x9: {  	s1 =	sand.u32 $0x1, s24;
	s3 =	sadd.s32 $0x81000, s0;
	s4 =	sadd.s32 $0xF43400, s0  }
0xa: {  	s5 =	sadd.s32 $0x1000, s0;
	s26 =	sshll.u32 s6, $0xA;
	s2 =	ssub.s32 $0x2, s1  }
0xb: {  	s24 =	simm.s32 $0x480;
	s1 =	sshll.u32 s1, $0x9;
	s25 =	sshrl.u32 s2, $0x1  }
0xc: {  	_ =	strace $0x80000047;
	s6 =	sor.u32 s1, s26;
	s0 =	ssub.s32 s2, s25  }
0xd: {  	s26 =	simm.s32 $0x580;
	s25 =	simm.s32 $0x500;
	s0 =	smax.u32 s0, $0x1  }
0xe: {  	s2 =	simm.s32 $0x0;
	[dreg:$0x2] =	wrdreg s0;
	s0 =	simm.s32 $0x6C00  }
.LBB2_1:
0xf: {  	[dreg:$0x3] =	wrdreg s2;
	s7 =	simm.s32 $0x0  }
.LBB2_2:
0x10: {  	s1 =	sshll.u32 s7, $0x3  }
0x11: {  	s2 =	sadd.s32 s6, s1  }
0x12: {  	s1 =	sshll.u32 s2, $0x5  }
0x13: {  	s13 =	simm.s32 $0x0;
	s1 =	sadd.s32 s3, s1  }
0x14: {  	[tilespmem:s13], [sflag:$0x3] =	stream.linear.gather [hbm4b:s1+s13], $0x800, $0x38;
	[tilespmem:$0x6E00] =	vst v63  }
0x15: {  	_ =	swait.ge [sflag:s8], $0x800  }
0x16: {  	[sflag:s8] =	ssyncset.done $0x0  }
0x17: {  	[sflag:s8] =	ssyncadd.s32 $0xFFFFF800  }
0x18: {  	[tilespmem:s10], [sflag:$0x1] =	stream.indirect.gather [hbm4b:s4+s9], $0x40, s13, s9, $0xb8;
	[tilespmem:$0x6E00] =	vst v63  }
0x19: {  	_ = 	snop  }
0x1a: {  	[tilespmem:s12], [sflag:$0x1] =	stream.indirect.gather [hbm4b:s4+s11], $0x40, s9, s11, $0xb8;
	[tilespmem:$0x6E00] =	vst v63  }
0x1b: {  	s13 =	simm.s32 $0x100  }
0x1c: {  	[tilespmem:s14], [sflag:$0x2] =	stream.indirect.gather [hbm4b:s4+s9], $0x40, s13, s9, $0xb8;
	[tilespmem:$0x6E00] =	vst v63  }
0x1d: {  	_ = 	snop  }
0x1e: {  	[tilespmem:s16], [sflag:$0x2] =	stream.indirect.gather [hbm4b:s4+s11], $0x40, s15, s11, $0xb8;
	[tilespmem:$0x6E00] =	vst v63  }
0x1f: {  	_ =	swait.ge [sflag:s17], $0x2000  }
0x20: {  	[sflag:s17] =	ssyncset.done $0x0  }
0x21: {  	[sflag:s17] =	ssyncadd.s32 $0xFFFFE000  }
0x22: {  	_ =	swait.ge [sflag:s17], $0x1200  }
0x23: {  	[sflag:s17] =	ssyncset.done $0x0  }
0x24: {  	s13 =	simm.s32 $0x0;
	[sflag:s17] =	ssyncadd.s32 $0xFFFFEE00  }
0x25: {  	v1 =	vld [tilespmem:s13+$0x830]  }
0x26: {  	v2 =	vld [tilespmem:s13+$0x800]  }
0x27: {  	v0 =	vimm.f32 $0.0e+00;
	v3 =	vld [tilespmem:s13+$0x810]  }
0x28: {  	v5 =	vimm.f32 $0.0e+00;
	v6 =	vimm.f32 $0.0e+00;
	v7 =	vimm.f32 $0.0e+00;
	s1 =	simm.s32 $0x100;
	v4 =	vld [tilespmem:s13+$0x820]  }
.LBB2_3:
0x29: {  	p0 =	sne.s32 s1, $0xC700  }
.Ltmp0:
0x2a: {  	s13 =	sshra.s32 s1, $0x2;
	s1 =	sadd.s32 $0x100, s1;
	v0 =	vadd.f32 v1, v0;
	(pc) =	sbr.rel @p0 .LBB2_3-.Ltmp0, $4  }
0x2b: {  	v1 =	vld [tilespmem:s13+$0x830];
	v5 =	vadd.f32 v2, v5  }
0x2c: {  	v2 =	vld [tilespmem:s13+$0x800];
	v6 =	vadd.f32 v3, v6  }
0x2d: {  	v3 =	vld [tilespmem:s13+$0x810];
	v7 =	vadd.f32 v4, v7  }
0x2e: {  	v4 =	vld [tilespmem:s13+$0x820]  }
0x2f: {  	_ = 	snop  }
0x30: {  	v0 =	vadd.f32 v1, v0  }
0x31: {  	v2 =	vadd.f32 v2, v5  }
0x32: {  	v3 =	vadd.f32 v3, v6;
	[tilespmem:$0x6C30] =	vst v0  }
0x33: {  	v4 =	vadd.f32 v4, v7;
	[tilespmem:$0x6C00] =	vst v2  }
0x34: {  	[tilespmem:$0x6C10] =	vst v3  }
0x35: {  	[tilespmem:$0x6C20] =	vst v4  }
0x36: {  	[tilespmem:s10], [sflag:$0x1] =	stream.indirect.gather [hbm4b:s4+s9], $0x40, s18, s9, $0xb8;
	[tilespmem:$0x6E00] =	vst v63  }
0x37: {  	_ = 	snop  }
0x38: {  	[tilespmem:s12], [sflag:$0x1] =	stream.indirect.gather [hbm4b:s4+s11], $0x40, s19, s11, $0xb8;
	[tilespmem:$0x6E00] =	vst v63  }
0x39: {  	_ =	swait.ge [sflag:s20], $0x2000  }
0x3a: {  	[sflag:s20] =	ssyncset.done $0x0  }
0x3b: {  	[sflag:s20] =	ssyncadd.s32 $0xFFFFE000  }
0x3c: {  	_ =	swait.ge [sflag:s20], $0x1200  }
0x3d: {  	[sflag:s20] =	ssyncset.done $0x0  }
0x3e: {  	s13 =	simm.s32 $0x0;
	[sflag:s20] =	ssyncadd.s32 $0xFFFFEE00  }
0x3f: {  	v1 =	vld [tilespmem:s13+$0x3A30]  }
0x40: {  	v2 =	vld [tilespmem:s13+$0x3A00]  }
0x41: {  	v5 =	vimm.f32 $0.0e+00;
	v3 =	vld [tilespmem:s13+$0x3A10]  }
0x42: {  	s1 =	simm.s32 $0x100;
	v0 =	vimm.f32 $0.0e+00;
	v6 =	vimm.f32 $0.0e+00;
	v7 =	vimm.f32 $0.0e+00;
	v4 =	vld [tilespmem:s13+$0x3A20]  }
.LBB2_5:
0x43: {  	p0 =	sne.s32 s1, $0xC700  }
.Ltmp1:
0x44: {  	s13 =	sshra.s32 s1, $0x2;
	s1 =	sadd.s32 $0x100, s1;
	v0 =	vadd.f32 v1, v0;
	(pc) =	sbr.rel @p0 .LBB2_5-.Ltmp1, $4  }
0x45: {  	v1 =	vld [tilespmem:s13+$0x3A30];
	v5 =	vadd.f32 v2, v5  }
0x46: {  	v2 =	vld [tilespmem:s13+$0x3A00];
	v6 =	vadd.f32 v3, v6  }
0x47: {  	v3 =	vld [tilespmem:s13+$0x3A10];
	v7 =	vadd.f32 v4, v7  }
0x48: {  	v4 =	vld [tilespmem:s13+$0x3A20]  }
0x49: {  	_ = 	snop  }
0x4a: {  	v0 =	vadd.f32 v1, v0  }
0x4b: {  	v2 =	vadd.f32 v2, v5  }
0x4c: {  	v3 =	vadd.f32 v3, v6;
	[tilespmem:$0x6C70] =	vst v0  }
0x4d: {  	v4 =	vadd.f32 v4, v7;
	[tilespmem:$0x6C40] =	vst v2  }
0x4e: {  	[tilespmem:$0x6C50] =	vst v3  }
0x4f: {  	[tilespmem:$0x6C60] =	vst v4  }
0x50: {  	[tilespmem:s14], [sflag:$0x2] =	stream.indirect.gather [hbm4b:s4+s9], $0x40, s21, s9, $0xb8;
	[tilespmem:$0x6E00] =	vst v63  }
0x51: {  	_ = 	snop  }
0x52: {  	[tilespmem:s16], [sflag:$0x2] =	stream.indirect.gather [hbm4b:s4+s11], $0x40, s22, s11, $0xb8;
	[tilespmem:$0x6E00] =	vst v63  }
0x53: {  	_ =	swait.ge [sflag:s17], $0x2000  }
0x54: {  	[sflag:s17] =	ssyncset.done $0x0  }
0x55: {  	[sflag:s17] =	ssyncadd.s32 $0xFFFFE000  }
0x56: {  	_ =	swait.ge [sflag:s17], $0x1200  }
0x57: {  	[sflag:s17] =	ssyncset.done $0x0  }
0x58: {  	s13 =	simm.s32 $0x0;
	[sflag:s17] =	ssyncadd.s32 $0xFFFFEE00  }
0x59: {  	v1 =	vld [tilespmem:s13+$0x830]  }
0x5a: {  	v2 =	vld [tilespmem:s13+$0x800]  }
0x5b: {  	v5 =	vimm.f32 $0.0e+00;
	v3 =	vld [tilespmem:s13+$0x810]  }
0x5c: {  	s1 =	simm.s32 $0x100;
	v0 =	vimm.f32 $0.0e+00;
	v6 =	vimm.f32 $0.0e+00;
	v7 =	vimm.f32 $0.0e+00;
	v4 =	vld [tilespmem:s13+$0x820]  }
.LBB2_7:
0x5d: {  	p0 =	sne.s32 s1, $0xC700  }
.Ltmp2:
0x5e: {  	s13 =	sshra.s32 s1, $0x2;
	s1 =	sadd.s32 $0x100, s1;
	v0 =	vadd.f32 v1, v0;
	(pc) =	sbr.rel @p0 .LBB2_7-.Ltmp2, $4  }
0x5f: {  	v1 =	vld [tilespmem:s13+$0x830];
	v5 =	vadd.f32 v2, v5  }
0x60: {  	v2 =	vld [tilespmem:s13+$0x800];
	v6 =	vadd.f32 v3, v6  }
0x61: {  	v3 =	vld [tilespmem:s13+$0x810];
	v7 =	vadd.f32 v4, v7  }
0x62: {  	v4 =	vld [tilespmem:s13+$0x820]  }
0x63: {  	_ = 	snop  }
0x64: {  	v0 =	vadd.f32 v1, v0  }
0x65: {  	v2 =	vadd.f32 v2, v5  }
0x66: {  	v3 =	vadd.f32 v3, v6;
	[tilespmem:$0x6CB0] =	vst v0  }
0x67: {  	v4 =	vadd.f32 v4, v7;
	[tilespmem:$0x6C80] =	vst v2  }
0x68: {  	[tilespmem:$0x6C90] =	vst v3  }
0x69: {  	[tilespmem:$0x6CA0] =	vst v4  }
0x6a: {  	[tilespmem:s10], [sflag:$0x1] =	stream.indirect.gather [hbm4b:s4+s9], $0x40, s23, s9, $0xb8;
	[tilespmem:$0x6E00] =	vst v63  }
0x6b: {  	_ = 	snop  }
0x6c: {  	[tilespmem:s12], [sflag:$0x1] =	stream.indirect.gather [hbm4b:s4+s11], $0x40, s24, s11, $0xb8;
	[tilespmem:$0x6E00] =	vst v63  }
0x6d: {  	_ =	swait.ge [sflag:s20], $0x2000  }
0x6e: {  	[sflag:s20] =	ssyncset.done $0x0  }
0x6f: {  	[sflag:s20] =	ssyncadd.s32 $0xFFFFE000  }
0x70: {  	_ =	swait.ge [sflag:s20], $0x1200  }
0x71: {  	[sflag:s20] =	ssyncset.done $0x0  }
0x72: {  	s13 =	simm.s32 $0x0;
	[sflag:s20] =	ssyncadd.s32 $0xFFFFEE00  }
0x73: {  	v1 =	vld [tilespmem:s13+$0x3A30]  }
0x74: {  	v2 =	vld [tilespmem:s13+$0x3A00]  }
0x75: {  	v5 =	vimm.f32 $0.0e+00;
	v3 =	vld [tilespmem:s13+$0x3A10]  }
0x76: {  	s1 =	simm.s32 $0x100;
	v0 =	vimm.f32 $0.0e+00;
	v6 =	vimm.f32 $0.0e+00;
	v7 =	vimm.f32 $0.0e+00;
	v4 =	vld [tilespmem:s13+$0x3A20]  }
.LBB2_9:
0x77: {  	p0 =	sne.s32 s1, $0xC700  }
.Ltmp3:
0x78: {  	s13 =	sshra.s32 s1, $0x2;
	s1 =	sadd.s32 $0x100, s1;
	v0 =	vadd.f32 v1, v0;
	(pc) =	sbr.rel @p0 .LBB2_9-.Ltmp3, $4  }
0x79: {  	v1 =	vld [tilespmem:s13+$0x3A30];
	v5 =	vadd.f32 v2, v5  }
0x7a: {  	v2 =	vld [tilespmem:s13+$0x3A00];
	v6 =	vadd.f32 v3, v6  }
0x7b: {  	v3 =	vld [tilespmem:s13+$0x3A10];
	v7 =	vadd.f32 v4, v7  }
0x7c: {  	v4 =	vld [tilespmem:s13+$0x3A20]  }
0x7d: {  	_ = 	snop  }
0x7e: {  	v0 =	vadd.f32 v1, v0  }
0x7f: {  	v2 =	vadd.f32 v2, v5  }
0x80: {  	v3 =	vadd.f32 v3, v6;
	[tilespmem:$0x6CF0] =	vst v0  }
0x81: {  	v4 =	vadd.f32 v4, v7;
	[tilespmem:$0x6CC0] =	vst v2  }
0x82: {  	[tilespmem:$0x6CD0] =	vst v3  }
0x83: {  	[tilespmem:$0x6CE0] =	vst v4  }
0x84: {  	[tilespmem:s14], [sflag:$0x2] =	stream.indirect.gather [hbm4b:s4+s9], $0x40, s25, s9, $0xb8;
	[tilespmem:$0x6E00] =	vst v63  }
0x85: {  	_ = 	snop  }
0x86: {  	[tilespmem:s16], [sflag:$0x2] =	stream.indirect.gather [hbm4b:s4+s11], $0x40, s26, s11, $0xb8;
	[tilespmem:$0x6E00] =	vst v63  }
0x87: {  	_ =	swait.ge [sflag:s17], $0x2000  }
0x88: {  	[sflag:s17] =	ssyncset.done $0x0  }
0x89: {  	[sflag:s17] =	ssyncadd.s32 $0xFFFFE000  }
0x8a: {  	_ =	swait.ge [sflag:s17], $0x1200  }
0x8b: {  	[sflag:s17] =	ssyncset.done $0x0  }
0x8c: {  	s13 =	simm.s32 $0x0;
	[sflag:s17] =	ssyncadd.s32 $0xFFFFEE00  }
0x8d: {  	v1 =	vld [tilespmem:s13+$0x830]  }
0x8e: {  	v2 =	vld [tilespmem:s13+$0x800]  }
0x8f: {  	v5 =	vimm.f32 $0.0e+00;
	v3 =	vld [tilespmem:s13+$0x810]  }
0x90: {  	s1 =	simm.s32 $0x100;
	v0 =	vimm.f32 $0.0e+00;
	v6 =	vimm.f32 $0.0e+00;
	v7 =	vimm.f32 $0.0e+00;
	v4 =	vld [tilespmem:s13+$0x820]  }
.LBB2_11:
0x91: {  	p0 =	sne.s32 s1, $0xC700  }
.Ltmp4:
0x92: {  	s13 =	sshra.s32 s1, $0x2;
	s1 =	sadd.s32 $0x100, s1;
	v0 =	vadd.f32 v1, v0;
	(pc) =	sbr.rel @p0 .LBB2_11-.Ltmp4, $4  }
0x93: {  	v1 =	vld [tilespmem:s13+$0x830];
	v5 =	vadd.f32 v2, v5  }
0x94: {  	v2 =	vld [tilespmem:s13+$0x800];
	v6 =	vadd.f32 v3, v6  }
0x95: {  	v3 =	vld [tilespmem:s13+$0x810];
	v7 =	vadd.f32 v4, v7  }
0x96: {  	v4 =	vld [tilespmem:s13+$0x820]  }
0x97: {  	_ = 	snop  }
0x98: {  	v0 =	vadd.f32 v1, v0  }
0x99: {  	v2 =	vadd.f32 v2, v5  }
0x9a: {  	v3 =	vadd.f32 v3, v6;
	[tilespmem:$0x6D30] =	vst v0  }
0x9b: {  	v4 =	vadd.f32 v4, v7;
	[tilespmem:$0x6D00] =	vst v2  }
0x9c: {  	[tilespmem:$0x6D10] =	vst v3  }
0x9d: {  	[tilespmem:$0x6D20] =	vst v4  }
0x9e: {  	[tilespmem:s10], [sflag:$0x1] =	stream.indirect.gather [hbm4b:s4+s9], $0x40, s28, s9, $0xb8;
	[tilespmem:$0x6E00] =	vst v63  }
0x9f: {  	_ = 	snop  }
0xa0: {  	[tilespmem:s12], [sflag:$0x1] =	stream.indirect.gather [hbm4b:s4+s11], $0x40, s29, s11, $0xb8;
	[tilespmem:$0x6E00] =	vst v63  }
0xa1: {  	_ =	swait.ge [sflag:s20], $0x2000  }
0xa2: {  	[sflag:s20] =	ssyncset.done $0x0  }
0xa3: {  	[sflag:s20] =	ssyncadd.s32 $0xFFFFE000  }
0xa4: {  	_ =	swait.ge [sflag:s20], $0x1200  }
0xa5: {  	[sflag:s20] =	ssyncset.done $0x0  }
0xa6: {  	s13 =	simm.s32 $0x0;
	[sflag:s20] =	ssyncadd.s32 $0xFFFFEE00  }
0xa7: {  	v1 =	vld [tilespmem:s13+$0x3A30]  }
0xa8: {  	v2 =	vld [tilespmem:s13+$0x3A00]  }
0xa9: {  	v5 =	vimm.f32 $0.0e+00;
	v3 =	vld [tilespmem:s13+$0x3A10]  }
0xaa: {  	s1 =	simm.s32 $0x100;
	v0 =	vimm.f32 $0.0e+00;
	v6 =	vimm.f32 $0.0e+00;
	v7 =	vimm.f32 $0.0e+00;
	v4 =	vld [tilespmem:s13+$0x3A20]  }
.LBB2_13:
0xab: {  	p0 =	sne.s32 s1, $0xC700  }
.Ltmp5:
0xac: {  	s13 =	sshra.s32 s1, $0x2;
	s1 =	sadd.s32 $0x100, s1;
	v0 =	vadd.f32 v1, v0;
	(pc) =	sbr.rel @p0 .LBB2_13-.Ltmp5, $4  }
0xad: {  	v1 =	vld [tilespmem:s13+$0x3A30];
	v5 =	vadd.f32 v2, v5  }
0xae: {  	v2 =	vld [tilespmem:s13+$0x3A00];
	v6 =	vadd.f32 v3, v6  }
0xaf: {  	v3 =	vld [tilespmem:s13+$0x3A10];
	v7 =	vadd.f32 v4, v7  }
0xb0: {  	v4 =	vld [tilespmem:s13+$0x3A20]  }
0xb1: {  	_ = 	snop  }
0xb2: {  	v0 =	vadd.f32 v1, v0  }
0xb3: {  	v2 =	vadd.f32 v2, v5  }
0xb4: {  	v3 =	vadd.f32 v3, v6;
	[tilespmem:$0x6D70] =	vst v0  }
0xb5: {  	v4 =	vadd.f32 v4, v7;
	[tilespmem:$0x6D40] =	vst v2  }
0xb6: {  	[tilespmem:$0x6D50] =	vst v3  }
0xb7: {  	[tilespmem:$0x6D60] =	vst v4  }
0xb8: {  	[tilespmem:s14], [sflag:$0x2] =	stream.indirect.gather [hbm4b:s4+s9], $0x40, s30, s9, $0xb8;
	[tilespmem:$0x6E00] =	vst v63  }
0xb9: {  	_ = 	snop  }
0xba: {  	[tilespmem:s16], [sflag:$0x2] =	stream.indirect.gather [hbm4b:s4+s11], $0x40, s31, s11, $0xb8;
	[tilespmem:$0x6E00] =	vst v63  }
0xbb: {  	_ =	swait.ge [sflag:s17], $0x2000  }
0xbc: {  	[sflag:s17] =	ssyncset.done $0x0  }
0xbd: {  	[sflag:s17] =	ssyncadd.s32 $0xFFFFE000  }
0xbe: {  	_ =	swait.ge [sflag:s17], $0x1200  }
0xbf: {  	[sflag:s17] =	ssyncset.done $0x0  }
0xc0: {  	s13 =	simm.s32 $0x0;
	[sflag:s17] =	ssyncadd.s32 $0xFFFFEE00  }
0xc1: {  	v1 =	vld [tilespmem:s13+$0x830]  }
0xc2: {  	v2 =	vld [tilespmem:s13+$0x800]  }
0xc3: {  	v5 =	vimm.f32 $0.0e+00;
	v3 =	vld [tilespmem:s13+$0x810]  }
0xc4: {  	s1 =	simm.s32 $0x100;
	v0 =	vimm.f32 $0.0e+00;
	v6 =	vimm.f32 $0.0e+00;
	v7 =	vimm.f32 $0.0e+00;
	v4 =	vld [tilespmem:s13+$0x820]  }
.LBB2_15:
0xc5: {  	p0 =	sne.s32 s1, $0xC700  }
.Ltmp6:
0xc6: {  	s13 =	sshra.s32 s1, $0x2;
	s1 =	sadd.s32 $0x100, s1;
	v0 =	vadd.f32 v1, v0;
	(pc) =	sbr.rel @p0 .LBB2_15-.Ltmp6, $4  }
0xc7: {  	v1 =	vld [tilespmem:s13+$0x830];
	v5 =	vadd.f32 v2, v5  }
0xc8: {  	v2 =	vld [tilespmem:s13+$0x800];
	v6 =	vadd.f32 v3, v6  }
0xc9: {  	v3 =	vld [tilespmem:s13+$0x810];
	v7 =	vadd.f32 v4, v7  }
0xca: {  	v4 =	vld [tilespmem:s13+$0x820]  }
0xcb: {  	_ = 	snop  }
0xcc: {  	v0 =	vadd.f32 v1, v0  }
0xcd: {  	v2 =	vadd.f32 v2, v5  }
0xce: {  	v3 =	vadd.f32 v3, v6;
	[tilespmem:$0x6DB0] =	vst v0  }
0xcf: {  	v4 =	vadd.f32 v4, v7;
	[tilespmem:$0x6D80] =	vst v2  }
0xd0: {  	[tilespmem:$0x6D90] =	vst v3  }
0xd1: {  	[tilespmem:$0x6DA0] =	vst v4  }
0xd2: {  	_ =	swait.ge [sflag:s20], $0x2000  }
0xd3: {  	[sflag:s20] =	ssyncset.done $0x0  }
0xd4: {  	[sflag:s20] =	ssyncadd.s32 $0xFFFFE000  }
0xd5: {  	_ =	swait.ge [sflag:s20], $0x1200  }
0xd6: {  	[sflag:s20] =	ssyncset.done $0x0  }
0xd7: {  	s13 =	simm.s32 $0x0;
	[sflag:s20] =	ssyncadd.s32 $0xFFFFEE00  }
0xd8: {  	v1 =	vld [tilespmem:s13+$0x3A30]  }
0xd9: {  	v2 =	vld [tilespmem:s13+$0x3A00]  }
0xda: {  	v5 =	vimm.f32 $0.0e+00;
	v3 =	vld [tilespmem:s13+$0x3A10]  }
0xdb: {  	s1 =	simm.s32 $0x100;
	v0 =	vimm.f32 $0.0e+00;
	v6 =	vimm.f32 $0.0e+00;
	v7 =	vimm.f32 $0.0e+00;
	v4 =	vld [tilespmem:s13+$0x3A20]  }
.LBB2_17:
0xdc: {  	p0 =	sne.s32 s1, $0xC700  }
.Ltmp7:
0xdd: {  	s13 =	sshra.s32 s1, $0x2;
	s1 =	sadd.s32 $0x100, s1;
	v0 =	vadd.f32 v1, v0;
	(pc) =	sbr.rel @p0 .LBB2_17-.Ltmp7, $4  }
0xde: {  	v1 =	vld [tilespmem:s13+$0x3A30];
	v5 =	vadd.f32 v2, v5  }
0xdf: {  	v2 =	vld [tilespmem:s13+$0x3A00];
	v6 =	vadd.f32 v3, v6  }
0xe0: {  	v3 =	vld [tilespmem:s13+$0x3A10];
	v7 =	vadd.f32 v4, v7  }
0xe1: {  	v4 =	vld [tilespmem:s13+$0x3A20]  }
0xe2: {  	_ = 	snop  }
0xe3: {  	v0 =	vadd.f32 v1, v0  }
0xe4: {  	v2 =	vadd.f32 v2, v5  }
0xe5: {  	v3 =	vadd.f32 v3, v6;
	[tilespmem:$0x6DF0] =	vst v0  }
0xe6: {  	s7 =	sadd.s32 $0x1, s7;
	v4 =	vadd.f32 v4, v7;
	[tilespmem:$0x6DC0] =	vst v2  }
0xe7: {  	s1 =	sshll.u32 s2, $0x3;
	p0 =	sne.s32 s7, $0x40;
	[tilespmem:$0x6DD0] =	vst v3  }
.Ltmp8:
0xe8: {  	s13 =	simm.s32 $0x0;
	s1 =	sadd.s32 s5, s1;
	[tilespmem:$0x6DE0] =	vst v4;
	(pc) =	sbr.rel @p0 .LBB2_2-.Ltmp8, $4  }
0xe9: {  	[hbm4b:s1+s13] =	stream.linear.scatter [tilespmem:s0], [sflag:$0x3], $0x200, $0x38;
	[tilespmem:$0x6E00] =	vst v63  }
0xea: {  	_ =	swait.ge [sflag:s8], $0x200  }
0xeb: {  	[sflag:s8] =	ssyncset.done $0x0  }
0xec: {  	[sflag:s8] =	ssyncadd.s32 $0xFFFFFE00  }
0xed: {  	s2 =	rddreg [dreg:$0x3]  }
0xee: {  	s1 =	rddreg [dreg:$0x2];
	s2 =	sadd.s32 $0x1, s2  }
0xef: {  	p0 =	sne.s32 s2, s1  }
.Ltmp9:
0xf0: {  	_ = 	snop;
	(pc) =	sbr.rel @p0 .LBB2_1-.Ltmp9, $1  }
0xf1: {  	_ =	sdelay $0x3  }
0xf2: {  	_ =	sfence.sel $0x180000  }
0xf3: {  	[bflag:$0x0] =	sbarrier.arrive $0xFFFF  }
0xf4: {  	_ =	strace $0x90000047  }
0xf5: {  	s0 =	stileid.u32;
	[bflag:$0x2] =	sbarrier.arrive $0xFFFF  }
0xf6: {  	p0 =	sne.s32 s0, $0x0;
	s0 =	rddreg [dreg:$0x1]  }
0xf7: {  	s0 =	sadd.s32 @!p0 $0x100000, s0  }
0xf8: {  	[sflag:s0] =	ssyncadd.tile.s32 @!p0 $0x1;
	_ =	shalt  }
.Lfunc_end2:
_tile_overlayer_lowered:
.L_overlay_start_2:
0xf9: {  	(tag) =	ssettag $0x2  }
0xfa: {  	s0 =	rddreg [dreg:$0x0];
	s2 =	stileid.u32  }
0xfb: {  	s1 =	rddreg [dreg:$0x1];
	p0 =	sne.s32 s2, $0x0  }
0xfc: {  	s3 =	rddreg [dreg:$0x2];
	[bflag:$0x3] =	sbarrier.arrive $0xFFFF;
	s2 =	simm.s32 @!p0 $0x1C03  }
0xfd: {  	[timem:s3], [sflag:s2] =	dma.local @!p0 [hbm:s0], s1  }
0xfe: {  	s0 =	simm.s32 @!p0 $0x3  }
0xff: {  	_ =	swait.ge @!p0 [sflag:s0], s1  }
0x100: {  	s1 =	ssub.s32 @!p0 $0x0, s1;
	[sflag:s0] =	ssyncset.done @!p0 $0x0  }
0x101: {  	[sflag:s0] =	ssyncadd.s32 @!p0 s1  }
0x102: {  	[bflag:$0x3] =	sbarrier.arrive $0xFFFF  }
0x103: {  	_ =	shalt  }

</sc_bundles>
